<compile_context>
chip_gen: v7x
topology: tpu7x:2x2x1
jax: 0.10.2.dev20260603
libtpu: 0.0.44.dev20260713+nightly
codegen_flags: <defaults>
</compile_context>

<pallas_src>
import functools

import jax
import jax.numpy as jnp
from jax import lax
from jax.experimental import pallas as pl
from jax.experimental.pallas import tpu as pltpu
from jax.experimental.pallas import tpu_sc as plsc

_ROWS = 128
_VOCAB = 100000
_SAVE = 64
_OUT_W = 72
_LANES = 16
_NVEC = _VOCAB // _LANES
_BIG = 2**30


def _body(logits_hbm, save_id_hbm, out_hbm, rowbuf, outbuf):
    nc, ns = 2, 16
    wid = lax.axis_index("s") * nc + lax.axis_index("c")
    rows_per_w = _ROWS // (nc * ns)
    lane_iota = lax.iota(jnp.int32, _LANES)

    for k in range(rows_per_w):
        row = wid * rows_per_w + k
        pltpu.sync_copy(logits_hbm.at[pl.ds(row * _VOCAB, _VOCAB)], rowbuf)
        pltpu.sync_copy(save_id_hbm.at[pl.ds(row * _SAVE, _SAVE)],
                        outbuf.at[pl.ds(0, _SAVE)])

        def step(i, carry):
            vmax, vidx = carry
            x = rowbuf[pl.ds(i * _LANES, _LANES)]
            upd = x > vmax
            vmax = jnp.where(upd, x, vmax)
            vidx = jnp.where(upd, i * _LANES + lane_iota, vidx)
            return vmax, vidx

        init = (jnp.full((_LANES,), -jnp.inf, jnp.float32),
                jnp.zeros((_LANES,), jnp.int32))
        vmax, vidx = lax.fori_loop(0, _NVEC, step, init)

        bv = vmax[0]
        bi = vidx[0]
        for j in range(1, _LANES):
            v = vmax[j]
            iv = vidx[j]
            better = (v > bv) | ((v == bv) & (iv < bi))
            bv = jnp.where(better, v, bv)
            bi = jnp.where(better, iv, bi)
        gidx = bi

        outbuf[pl.ds(_SAVE, _LANES)] = jnp.full((_LANES,), gidx, jnp.int32)
        pltpu.sync_copy(outbuf.at[pl.ds(0, _OUT_W)],
                        out_hbm.at[pl.ds(row * _OUT_W, _OUT_W)])


@jax.jit
def _greedy(logits, save_id):
    mesh = plsc.VectorSubcoreMesh(core_axis_name="c", subcore_axis_name="s")
    f = pl.kernel(
        _body,
        out_type=jax.ShapeDtypeStruct((_ROWS * _OUT_W,), jnp.int32),
        mesh=mesh,
        scratch_types=[
            pltpu.VMEM((_VOCAB,), jnp.float32),
            pltpu.VMEM((_SAVE + _LANES,), jnp.int32),
        ],
    )
    out = f(logits.reshape(-1), save_id.reshape(-1))
    return out.reshape(_ROWS, _OUT_W)


def kernel(logits, save_id):
    out = _greedy(logits, save_id)
    return (out[:, _SAVE:_SAVE + 1], out[:, :_SAVE + 1])

# --- scband reference (transcript-rebuilt; emitter-appended) ---
"""Pipeline reference for scband-greedy-search-5909874999391 (READ-ONLY COPY).

The authoritative reference and input builder live on the scoring server;
editing this copy changes nothing except your own understanding.
"""

import jax, jax.numpy as jnp
import numpy as np


def setup_inputs(seed: int = 0) -> dict:
    key = jax.random.key(seed)
    k1, k2 = jax.random.split(key)
    logits = jax.random.normal(k1, (128, 100000), dtype=jnp.float32)
    save_id = jax.random.randint(k2, (128, 64), 0, 100000, dtype=jnp.int32)
    return {"logits": logits, "save_id": save_id}


def reference(logits, save_id):
    # Greedy decoding: pick highest-logit token per row.
    max_logits_idx = jnp.argmax(logits, axis=-1, keepdims=True).astype(jnp.int32)
    save_id = jnp.concatenate([save_id, max_logits_idx], axis=-1)
    return (max_logits_idx, save_id)

if __name__ == "__main__":
    import jax
    _d = setup_inputs()
    print(jax.jit(kernel)(*tuple(_d.values())))

</pallas_src>

<mosaic_0001>
#map = affine_map<(d0, d1) -> (0)>
module attributes {stable_mosaic.version = 14 : i64} {
  func.func @_body(%arg0: i32, %arg1: i32, %arg2: memref<12800000xf32, #tpu.memory_space<hbm>>, %arg3: memref<8192xi32, #tpu.memory_space<hbm>>, %arg4: memref<9216xi32, #tpu.memory_space<hbm>>, %arg5: memref<100000xf32, #tpu.memory_space<vmem>>, %arg6: memref<80xi32, #tpu.memory_space<vmem>>) attributes {dimension_semantics = [#tpu.dimension_semantics<core_parallel>, #tpu.dimension_semantics<subcore_parallel>], iteration_bounds = array<i64: 2, 16>, scalar_prefetch = 0 : i64, scratch_operands = 2 : i64, tpu.core_type = #tpu.core_type<sc_vector_subcore>, window_params = [{transform_indices = #map}, {transform_indices = #map}, {transform_indices = #map}]} {
    %mul3A = arith.constant 2 : i32
    %mul3A_0 = arith.muli %arg1, %mul3A : i32
    %add3A = arith.addi %mul3A_0, %arg0 : i32
    %iota3A = tpu.iota {dimensions = array<i32: 0>} : vector<16xi32>
    %mul3A_1 = arith.constant 4 : i32
    %mul3A_2 = arith.muli %add3A, %mul3A_1 : i32
    %add3A_3 = arith.constant 0 : i32
    %add3A_4 = arith.addi %mul3A_2, %add3A_3 : i32
    %mul3A_5 = arith.constant 100000 : i32
    %mul3A_6 = arith.muli %add3A_4, %mul3A_5 : i32
    "tpu.region"() ({
      %run_scoped3A = tpu.sem_alloc : memref<!tpu.dma_semaphore, #tpu.memory_space<semaphore_mem>>
      %dma_start3A = tpu.memref_slice %arg2[%mul3A_6] : memref<12800000xf32, #tpu.memory_space<hbm>> -> memref<100000xf32, #tpu.memory_space<hbm>>
      %dma_start3A_766 = tpu.memref_slice %arg2[%mul3A_6] : memref<12800000xf32, #tpu.memory_space<hbm>> -> memref<100000xf32, #tpu.memory_space<hbm>>
      tpu.enqueue_dma source(%dma_start3A_766 : memref<100000xf32, #tpu.memory_space<hbm>>) target(%arg5 : memref<100000xf32, #tpu.memory_space<vmem>>) target_semaphore(%run_scoped3A : memref<!tpu.dma_semaphore, #tpu.memory_space<semaphore_mem>>)
      %dma_wait3A = tpu.memref_slice %arg2[%mul3A_6] : memref<12800000xf32, #tpu.memory_space<hbm>> -> memref<100000xf32, #tpu.memory_space<hbm>>
      %dma_wait3A_767 = tpu.memref_slice %arg2[%mul3A_6] : memref<12800000xf32, #tpu.memory_space<hbm>> -> memref<100000xf32, #tpu.memory_space<hbm>>
      tpu.wait_dma2 semaphore(%run_scoped3A : memref<!tpu.dma_semaphore, #tpu.memory_space<semaphore_mem>>) src(%dma_wait3A_767 : memref<100000xf32, #tpu.memory_space<hbm>>) dst(%arg5 : memref<100000xf32, #tpu.memory_space<vmem>>)
      tpu.yield
    }) : () -> ()
    %mul3A_7 = arith.constant 64 : i32
    %mul3A_8 = arith.muli %add3A_4, %mul3A_7 : i32
    "tpu.region"() ({
      %run_scoped3A = tpu.sem_alloc : memref<!tpu.dma_semaphore, #tpu.memory_space<semaphore_mem>>
      %dma_start3A = arith.constant 0 : i32
      %dma_start3A_766 = tpu.memref_slice %arg6[%dma_start3A] : memref<80xi32, #tpu.memory_space<vmem>> -> memref<64xi32, #tpu.memory_space<vmem>>
      %dma_start3A_767 = tpu.memref_slice %arg3[%mul3A_8] : memref<8192xi32, #tpu.memory_space<hbm>> -> memref<64xi32, #tpu.memory_space<hbm>>
      %dma_start3A_768 = arith.constant 0 : i32
      %dma_start3A_769 = tpu.memref_slice %arg6[%dma_start3A_768] : memref<80xi32, #tpu.memory_space<vmem>> -> memref<64xi32, #tpu.memory_space<vmem>>
      %dma_start3A_770 = tpu.memref_slice %arg3[%mul3A_8] : memref<8192xi32, #tpu.memory_space<hbm>> -> memref<64xi32, #tpu.memory_space<hbm>>
      tpu.enqueue_dma source(%dma_start3A_770 : memref<64xi32, #tpu.memory_space<hbm>>) target(%dma_start3A_769 : memref<64xi32, #tpu.memory_space<vmem>>) target_semaphore(%run_scoped3A : memref<!tpu.dma_semaphore, #tpu.memory_space<semaphore_mem>>)
      %dma_wait3A = arith.constant 0 : i32
      %dma_wait3A_771 = tpu.memref_slice %arg6[%dma_wait3A] : memref<80xi32, #tpu.memory_space<vmem>> -> memref<64xi32, #tpu.memory_space<vmem>>
      %dma_wait3A_772 = tpu.memref_slice %arg3[%mul3A_8] : memref<8192xi32, #tpu.memory_space<hbm>> -> memref<64xi32, #tpu.memory_space<hbm>>
      %dma_wait3A_773 = arith.constant 0 : i32
      %dma_wait3A_774 = tpu.memref_slice %arg6[%dma_wait3A_773] : memref<80xi32, #tpu.memory_space<vmem>> -> memref<64xi32, #tpu.memory_space<vmem>>
      %dma_wait3A_775 = tpu.memref_slice %arg3[%mul3A_8] : memref<8192xi32, #tpu.memory_space<hbm>> -> memref<64xi32, #tpu.memory_space<hbm>>
      tpu.wait_dma2 semaphore(%run_scoped3A : memref<!tpu.dma_semaphore, #tpu.memory_space<semaphore_mem>>) src(%dma_wait3A_775 : memref<64xi32, #tpu.memory_space<hbm>>) dst(%dma_wait3A_774 : memref<64xi32, #tpu.memory_space<vmem>>)
      tpu.yield
    }) : () -> ()
    %broadcast_in_dim3A = arith.constant 0xFF800000 : f32
    %broadcast_in_dim3A_9 = vector.broadcast %broadcast_in_dim3A : f32 to vector<16xf32>
    %broadcast_in_dim3A_10 = arith.constant 0 : i32
    %broadcast_in_dim3A_11 = vector.broadcast %broadcast_in_dim3A_10 : i32 to vector<16xi32>
    %scan3A = arith.constant 0 : i32
    %scan3A_12 = arith.constant 6250 : i32
    %scan3A_13 = arith.addi %scan3A, %scan3A_12 : i32
    %scan3A_14 = arith.constant 1 : i32
    %scan3A_15:2 = scf.for %scan3A_766 = %scan3A to %scan3A_13 step %scan3A_14 iter_args(%scan3A_767 = %broadcast_in_dim3A_9, %scan3A_768 = %broadcast_in_dim3A_11) -> (vector<16xf32>, vector<16xi32>)  : i32 {
      %mul3A_769 = arith.constant 16 : i32
      %mul3A_770 = arith.muli %scan3A_766, %mul3A_769 : i32
      %get3A = arith.index_cast %mul3A_770 : i32 to index
      %get3A_771 = tpu.vector_load %arg5[%get3A] {strides = array<i32>} : memref<100000xf32, #tpu.memory_space<vmem>>, vector<16xf32>,
      %get3A_772 = vector.shape_cast %get3A_771 : vector<16xf32> to vector<16xf32>
      %gt3A_773 = arith.cmpf ogt, %get3A_772, %scan3A_767 : vector<16xf32>
      %select_n3A_774 = arith.select %gt3A_773, %get3A_772, %scan3A_767 : vector<16xi1>, vector<16xf32>
      %mul3A_775 = arith.constant 16 : i32
      %mul3A_776 = arith.muli %scan3A_766, %mul3A_775 : i32
      %add3A_777 = vector.broadcast %mul3A_776 : i32 to vector<16xi32>
      %add3A_778 = arith.addi %add3A_777, %iota3A : vector<16xi32>
      %select_n3A_779 = arith.select %gt3A_773, %add3A_778, %scan3A_768 : vector<16xi1>, vector<16xi32>
      scf.yield %select_n3A_774, %select_n3A_779 : vector<16xf32>, vector<16xi32>
    }
    %scan3A_16 = arith.constant 6250 : i32
    %slice3A = vector.extract_strided_slice %scan3A_15#0 {offsets = [0], sizes = [1], strides = [1]} : vector<16xf32> to vector<1xf32>
    %squeeze3A = vector.extract %slice3A[0] : f32 from vector<1xf32>
    %slice3A_17 = vector.extract_strided_slice %scan3A_15#1 {offsets = [0], sizes = [1], strides = [1]} : vector<16xi32> to vector<1xi32>
    %squeeze3A_18 = vector.extract %slice3A_17[0] : i32 from vector<1xi32>
    %slice3A_19 = vector.extract_strided_slice %scan3A_15#0 {offsets = [1], sizes = [1], strides = [1]} : vector<16xf32> to vector<1xf32>
    %squeeze3A_20 = vector.extract %slice3A_19[0] : f32 from vector<1xf32>
    %slice3A_21 = vector.extract_strided_slice %scan3A_15#1 {offsets = [1], sizes = [1], strides = [1]} : vector<16xi32> to vector<1xi32>
    %squeeze3A_22 = vector.extract %slice3A_21[0] : i32 from vector<1xi32>
    %gt3A = arith.cmpf ogt, %squeeze3A_20, %squeeze3A : f32
    %eq3A = arith.cmpf oeq, %squeeze3A_20, %squeeze3A : f32
    %lt3A = arith.cmpi slt, %squeeze3A_22, %squeeze3A_18 : i32
    %and3A = arith.andi %eq3A, %lt3A : i1
    %or3A = arith.ori %gt3A, %and3A : i1
    %select_n3A = arith.select %or3A, %squeeze3A_20, %squeeze3A : f32
    %select_n3A_23 = arith.select %or3A, %squeeze3A_22, %squeeze3A_18 : i32
    %slice3A_24 = vector.extract_strided_slice %scan3A_15#0 {offsets = [2], sizes = [1], strides = [1]} : vector<16xf32> to vector<1xf32>
    %squeeze3A_25 = vector.extract %slice3A_24[0] : f32 from vector<1xf32>
    %slice3A_26 = vector.extract_strided_slice %scan3A_15#1 {offsets = [2], sizes = [1], strides = [1]} : vector<16xi32> to vector<1xi32>
    %squeeze3A_27 = vector.extract %slice3A_26[0] : i32 from vector<1xi32>
    %gt3A_28 = arith.cmpf ogt, %squeeze3A_25, %select_n3A : f32
    %eq3A_29 = arith.cmpf oeq, %squeeze3A_25, %select_n3A : f32
    %lt3A_30 = arith.cmpi slt, %squeeze3A_27, %select_n3A_23 : i32
    %and3A_31 = arith.andi %eq3A_29, %lt3A_30 : i1
    %or3A_32 = arith.ori %gt3A_28, %and3A_31 : i1
    %select_n3A_33 = arith.select %or3A_32, %squeeze3A_25, %select_n3A : f32
    %select_n3A_34 = arith.select %or3A_32, %squeeze3A_27, %select_n3A_23 : i32
    %slice3A_35 = vector.extract_strided_slice %scan3A_15#0 {offsets = [3], sizes = [1], strides = [1]} : vector<16xf32> to vector<1xf32>
    %squeeze3A_36 = vector.extract %slice3A_35[0] : f32 from vector<1xf32>
    %slice3A_37 = vector.extract_strided_slice %scan3A_15#1 {offsets = [3], sizes = [1], strides = [1]} : vector<16xi32> to vector<1xi32>
    %squeeze3A_38 = vector.extract %slice3A_37[0] : i32 from vector<1xi32>
    %gt3A_39 = arith.cmpf ogt, %squeeze3A_36, %select_n3A_33 : f32
    %eq3A_40 = arith.cmpf oeq, %squeeze3A_36, %select_n3A_33 : f32
    %lt3A_41 = arith.cmpi slt, %squeeze3A_38, %select_n3A_34 : i32
    %and3A_42 = arith.andi %eq3A_40, %lt3A_41 : i1
    %or3A_43 = arith.ori %gt3A_39, %and3A_42 : i1
    %select_n3A_44 = arith.select %or3A_43, %squeeze3A_36, %select_n3A_33 : f32
    %select_n3A_45 = arith.select %or3A_43, %squeeze3A_38, %select_n3A_34 : i32
    %slice3A_46 = vector.extract_strided_slice %scan3A_15#0 {offsets = [4], sizes = [1], strides = [1]} : vector<16xf32> to vector<1xf32>
    %squeeze3A_47 = vector.extract %slice3A_46[0] : f32 from vector<1xf32>
    %slice3A_48 = vector.extract_strided_slice %scan3A_15#1 {offsets = [4], sizes = [1], strides = [1]} : vector<16xi32> to vector<1xi32>
    %squeeze3A_49 = vector.extract %slice3A_48[0] : i32 from vector<1xi32>
    %gt3A_50 = arith.cmpf ogt, %squeeze3A_47, %select_n3A_44 : f32
    %eq3A_51 = arith.cmpf oeq, %squeeze3A_47, %select_n3A_44 : f32
    %lt3A_52 = arith.cmpi slt, %squeeze3A_49, %select_n3A_45 : i32
    %and3A_53 = arith.andi %eq3A_51, %lt3A_52 : i1
    %or3A_54 = arith.ori %gt3A_50, %and3A_53 : i1
    %select_n3A_55 = arith.select %or3A_54, %squeeze3A_47, %select_n3A_44 : f32
    %select_n3A_56 = arith.select %or3A_54, %squeeze3A_49, %select_n3A_45 : i32
    %slice3A_57 = vector.extract_strided_slice %scan3A_15#0 {offsets = [5], sizes = [1], strides = [1]} : vector<16xf32> to vector<1xf32>
    %squeeze3A_58 = vector.extract %slice3A_57[0] : f32 from vector<1xf32>
    %slice3A_59 = vector.extract_strided_slice %scan3A_15#1 {offsets = [5], sizes = [1], strides = [1]} : vector<16xi32> to vector<1xi32>
    %squeeze3A_60 = vector.extract %slice3A_59[0] : i32 from vector<1xi32>
    %gt3A_61 = arith.cmpf ogt, %squeeze3A_58, %select_n3A_55 : f32
    %eq3A_62 = arith.cmpf oeq, %squeeze3A_58, %select_n3A_55 : f32
    %lt3A_63 = arith.cmpi slt, %squeeze3A_60, %select_n3A_56 : i32
    %and3A_64 = arith.andi %eq3A_62, %lt3A_63 : i1
    %or3A_65 = arith.ori %gt3A_61, %and3A_64 : i1
    %select_n3A_66 = arith.select %or3A_65, %squeeze3A_58, %select_n3A_55 : f32
    %select_n3A_67 = arith.select %or3A_65, %squeeze3A_60, %select_n3A_56 : i32
    %slice3A_68 = vector.extract_strided_slice %scan3A_15#0 {offsets = [6], sizes = [1], strides = [1]} : vector<16xf32> to vector<1xf32>
    %squeeze3A_69 = vector.extract %slice3A_68[0] : f32 from vector<1xf32>
    %slice3A_70 = vector.extract_strided_slice %scan3A_15#1 {offsets = [6], sizes = [1], strides = [1]} : vector<16xi32> to vector<1xi32>
    %squeeze3A_71 = vector.extract %slice3A_70[0] : i32 from vector<1xi32>
    %gt3A_72 = arith.cmpf ogt, %squeeze3A_69, %select_n3A_66 : f32
    %eq3A_73 = arith.cmpf oeq, %squeeze3A_69, %select_n3A_66 : f32
    %lt3A_74 = arith.cmpi slt, %squeeze3A_71, %select_n3A_67 : i32
    %and3A_75 = arith.andi %eq3A_73, %lt3A_74 : i1
    %or3A_76 = arith.ori %gt3A_72, %and3A_75 : i1
    %select_n3A_77 = arith.select %or3A_76, %squeeze3A_69, %select_n3A_66 : f32
    %select_n3A_78 = arith.select %or3A_76, %squeeze3A_71, %select_n3A_67 : i32
    %slice3A_79 = vector.extract_strided_slice %scan3A_15#0 {offsets = [7], sizes = [1], strides = [1]} : vector<16xf32> to vector<1xf32>
    %squeeze3A_80 = vector.extract %slice3A_79[0] : f32 from vector<1xf32>
    %slice3A_81 = vector.extract_strided_slice %scan3A_15#1 {offsets = [7], sizes = [1], strides = [1]} : vector<16xi32> to vector<1xi32>
    %squeeze3A_82 = vector.extract %slice3A_81[0] : i32 from vector<1xi32>
    %gt3A_83 = arith.cmpf ogt, %squeeze3A_80, %select_n3A_77 : f32
    %eq3A_84 = arith.cmpf oeq, %squeeze3A_80, %select_n3A_77 : f32
    %lt3A_85 = arith.cmpi slt, %squeeze3A_82, %select_n3A_78 : i32
    %and3A_86 = arith.andi %eq3A_84, %lt3A_85 : i1
    %or3A_87 = arith.ori %gt3A_83, %and3A_86 : i1
    %select_n3A_88 = arith.select %or3A_87, %squeeze3A_80, %select_n3A_77 : f32
    %select_n3A_89 = arith.select %or3A_87, %squeeze3A_82, %select_n3A_78 : i32
    %slice3A_90 = vector.extract_strided_slice %scan3A_15#0 {offsets = [8], sizes = [1], strides = [1]} : vector<16xf32> to vector<1xf32>
    %squeeze3A_91 = vector.extract %slice3A_90[0] : f32 from vector<1xf32>
    %slice3A_92 = vector.extract_strided_slice %scan3A_15#1 {offsets = [8], sizes = [1], strides = [1]} : vector<16xi32> to vector<1xi32>
    %squeeze3A_93 = vector.extract %slice3A_92[0] : i32 from vector<1xi32>
    %gt3A_94 = arith.cmpf ogt, %squeeze3A_91, %select_n3A_88 : f32
    %eq3A_95 = arith.cmpf oeq, %squeeze3A_91, %select_n3A_88 : f32
    %lt3A_96 = arith.cmpi slt, %squeeze3A_93, %select_n3A_89 : i32
    %and3A_97 = arith.andi %eq3A_95, %lt3A_96 : i1
    %or3A_98 = arith.ori %gt3A_94, %and3A_97 : i1
    %select_n3A_99 = arith.select %or3A_98, %squeeze3A_91, %select_n3A_88 : f32
    %select_n3A_100 = arith.select %or3A_98, %squeeze3A_93, %select_n3A_89 : i32
    %slice3A_101 = vector.extract_strided_slice %scan3A_15#0 {offsets = [9], sizes = [1], strides = [1]} : vector<16xf32> to vector<1xf32>
    %squeeze3A_102 = vector.extract %slice3A_101[0] : f32 from vector<1xf32>
    %slice3A_103 = vector.extract_strided_slice %scan3A_15#1 {offsets = [9], sizes = [1], strides = [1]} : vector<16xi32> to vector<1xi32>
    %squeeze3A_104 = vector.extract %slice3A_103[0] : i32 from vector<1xi32>
    %gt3A_105 = arith.cmpf ogt, %squeeze3A_102, %select_n3A_99 : f32
    %eq3A_106 = arith.cmpf oeq, %squeeze3A_102, %select_n3A_99 : f32
    %lt3A_107 = arith.cmpi slt, %squeeze3A_104, %select_n3A_100 : i32
    %and3A_108 = arith.andi %eq3A_106, %lt3A_107 : i1
    %or3A_109 = arith.ori %gt3A_105, %and3A_108 : i1
    %select_n3A_110 = arith.select %or3A_109, %squeeze3A_102, %select_n3A_99 : f32
    %select_n3A_111 = arith.select %or3A_109, %squeeze3A_104, %select_n3A_100 : i32
    %slice3A_112 = vector.extract_strided_slice %scan3A_15#0 {offsets = [10], sizes = [1], strides = [1]} : vector<16xf32> to vector<1xf32>
    %squeeze3A_113 = vector.extract %slice3A_112[0] : f32 from vector<1xf32>
    %slice3A_114 = vector.extract_strided_slice %scan3A_15#1 {offsets = [10], sizes = [1], strides = [1]} : vector<16xi32> to vector<1xi32>
    %squeeze3A_115 = vector.extract %slice3A_114[0] : i32 from vector<1xi32>
    %gt3A_116 = arith.cmpf ogt, %squeeze3A_113, %select_n3A_110 : f32
    %eq3A_117 = arith.cmpf oeq, %squeeze3A_113, %select_n3A_110 : f32
    %lt3A_118 = arith.cmpi slt, %squeeze3A_115, %select_n3A_111 : i32
    %and3A_119 = arith.andi %eq3A_117, %lt3A_118 : i1
    %or3A_120 = arith.ori %gt3A_116, %and3A_119 : i1
    %select_n3A_121 = arith.select %or3A_120, %squeeze3A_113, %select_n3A_110 : f32
    %select_n3A_122 = arith.select %or3A_120, %squeeze3A_115, %select_n3A_111 : i32
    %slice3A_123 = vector.extract_strided_slice %scan3A_15#0 {offsets = [11], sizes = [1], strides = [1]} : vector<16xf32> to vector<1xf32>
    %squeeze3A_124 = vector.extract %slice3A_123[0] : f32 from vector<1xf32>
    %slice3A_125 = vector.extract_strided_slice %scan3A_15#1 {offsets = [11], sizes = [1], strides = [1]} : vector<16xi32> to vector<1xi32>
    %squeeze3A_126 = vector.extract %slice3A_125[0] : i32 from vector<1xi32>
    %gt3A_127 = arith.cmpf ogt, %squeeze3A_124, %select_n3A_121 : f32
    %eq3A_128 = arith.cmpf oeq, %squeeze3A_124, %select_n3A_121 : f32
    %lt3A_129 = arith.cmpi slt, %squeeze3A_126, %select_n3A_122 : i32
    %and3A_130 = arith.andi %eq3A_128, %lt3A_129 : i1
    %or3A_131 = arith.ori %gt3A_127, %and3A_130 : i1
    %select_n3A_132 = arith.select %or3A_131, %squeeze3A_124, %select_n3A_121 : f32
    %select_n3A_133 = arith.select %or3A_131, %squeeze3A_126, %select_n3A_122 : i32
    %slice3A_134 = vector.extract_strided_slice %scan3A_15#0 {offsets = [12], sizes = [1], strides = [1]} : vector<16xf32> to vector<1xf32>
    %squeeze3A_135 = vector.extract %slice3A_134[0] : f32 from vector<1xf32>
    %slice3A_136 = vector.extract_strided_slice %scan3A_15#1 {offsets = [12], sizes = [1], strides = [1]} : vector<16xi32> to vector<1xi32>
    %squeeze3A_137 = vector.extract %slice3A_136[0] : i32 from vector<1xi32>
    %gt3A_138 = arith.cmpf ogt, %squeeze3A_135, %select_n3A_132 : f32
    %eq3A_139 = arith.cmpf oeq, %squeeze3A_135, %select_n3A_132 : f32
    %lt3A_140 = arith.cmpi slt, %squeeze3A_137, %select_n3A_133 : i32
    %and3A_141 = arith.andi %eq3A_139, %lt3A_140 : i1
    %or3A_142 = arith.ori %gt3A_138, %and3A_141 : i1
    %select_n3A_143 = arith.select %or3A_142, %squeeze3A_135, %select_n3A_132 : f32
    %select_n3A_144 = arith.select %or3A_142, %squeeze3A_137, %select_n3A_133 : i32
    %slice3A_145 = vector.extract_strided_slice %scan3A_15#0 {offsets = [13], sizes = [1], strides = [1]} : vector<16xf32> to vector<1xf32>
    %squeeze3A_146 = vector.extract %slice3A_145[0] : f32 from vector<1xf32>
    %slice3A_147 = vector.extract_strided_slice %scan3A_15#1 {offsets = [13], sizes = [1], strides = [1]} : vector<16xi32> to vector<1xi32>
    %squeeze3A_148 = vector.extract %slice3A_147[0] : i32 from vector<1xi32>
    %gt3A_149 = arith.cmpf ogt, %squeeze3A_146, %select_n3A_143 : f32
    %eq3A_150 = arith.cmpf oeq, %squeeze3A_146, %select_n3A_143 : f32
    %lt3A_151 = arith.cmpi slt, %squeeze3A_148, %select_n3A_144 : i32
    %and3A_152 = arith.andi %eq3A_150, %lt3A_151 : i1
    %or3A_153 = arith.ori %gt3A_149, %and3A_152 : i1
    %select_n3A_154 = arith.select %or3A_153, %squeeze3A_146, %select_n3A_143 : f32
    %select_n3A_155 = arith.select %or3A_153, %squeeze3A_148, %select_n3A_144 : i32
    %slice3A_156 = vector.extract_strided_slice %scan3A_15#0 {offsets = [14], sizes = [1], strides = [1]} : vector<16xf32> to vector<1xf32>
    %squeeze3A_157 = vector.extract %slice3A_156[0] : f32 from vector<1xf32>
    %slice3A_158 = vector.extract_strided_slice %scan3A_15#1 {offsets = [14], sizes = [1], strides = [1]} : vector<16xi32> to vector<1xi32>
    %squeeze3A_159 = vector.extract %slice3A_158[0] : i32 from vector<1xi32>
    %gt3A_160 = arith.cmpf ogt, %squeeze3A_157, %select_n3A_154 : f32
    %eq3A_161 = arith.cmpf oeq, %squeeze3A_157, %select_n3A_154 : f32
    %lt3A_162 = arith.cmpi slt, %squeeze3A_159, %select_n3A_155 : i32
    %and3A_163 = arith.andi %eq3A_161, %lt3A_162 : i1
    %or3A_164 = arith.ori %gt3A_160, %and3A_163 : i1
    %select_n3A_165 = arith.select %or3A_164, %squeeze3A_157, %select_n3A_154 : f32
    %select_n3A_166 = arith.select %or3A_164, %squeeze3A_159, %select_n3A_155 : i32
    %slice3A_167 = vector.extract_strided_slice %scan3A_15#0 {offsets = [15], sizes = [1], strides = [1]} : vector<16xf32> to vector<1xf32>
    %squeeze3A_168 = vector.extract %slice3A_167[0] : f32 from vector<1xf32>
    %slice3A_169 = vector.extract_strided_slice %scan3A_15#1 {offsets = [15], sizes = [1], strides = [1]} : vector<16xi32> to vector<1xi32>
    %squeeze3A_170 = vector.extract %slice3A_169[0] : i32 from vector<1xi32>
    %gt3A_171 = arith.cmpf ogt, %squeeze3A_168, %select_n3A_165 : f32
    %eq3A_172 = arith.cmpf oeq, %squeeze3A_168, %select_n3A_165 : f32
    %lt3A_173 = arith.cmpi slt, %squeeze3A_170, %select_n3A_166 : i32
    %and3A_174 = arith.andi %eq3A_172, %lt3A_173 : i1
    %or3A_175 = arith.ori %gt3A_171, %and3A_174 : i1
    %select_n3A_176 = arith.select %or3A_175, %squeeze3A_168, %select_n3A_165 : f32
    %select_n3A_177 = arith.select %or3A_175, %squeeze3A_170, %select_n3A_166 : i32
    %broadcast_in_dim3A_178 = vector.broadcast %select_n3A_177 : i32 to vector<16xi32>
    %swap3A = arith.constant 64 : index
    %swap3A_179 = tpu.vector_load %arg6[%swap3A] {strides = array<i32>} : memref<80xi32, #tpu.memory_space<vmem>>, vector<16xi32>,
    %swap3A_180 = vector.shape_cast %swap3A_179 : vector<16xi32> to vector<16xi32>
    %swap3A_181 = vector.shape_cast %broadcast_in_dim3A_178 : vector<16xi32> to vector<16xi32>
    tpu.vector_store %arg6[%swap3A], %swap3A_181 {strides = array<i32>} : memref<80xi32, #tpu.memory_space<vmem>>, vector<16xi32>,
    %mul3A_182 = arith.constant 72 : i32
    %mul3A_183 = arith.muli %add3A_4, %mul3A_182 : i32
    "tpu.region"() ({
      %run_scoped3A = tpu.sem_alloc : memref<!tpu.dma_semaphore, #tpu.memory_space<semaphore_mem>>
      %dma_start3A = arith.constant 0 : i32
      %dma_start3A_766 = tpu.memref_slice %arg6[%dma_start3A] : memref<80xi32, #tpu.memory_space<vmem>> -> memref<72xi32, #tpu.memory_space<vmem>>
      %dma_start3A_767 = tpu.memref_slice %arg4[%mul3A_183] : memref<9216xi32, #tpu.memory_space<hbm>> -> memref<72xi32, #tpu.memory_space<hbm>>
      %dma_start3A_768 = tpu.memref_slice %arg4[%mul3A_183] : memref<9216xi32, #tpu.memory_space<hbm>> -> memref<72xi32, #tpu.memory_space<hbm>>
      %dma_start3A_769 = arith.constant 0 : i32
      %dma_start3A_770 = tpu.memref_slice %arg6[%dma_start3A_769] : memref<80xi32, #tpu.memory_space<vmem>> -> memref<72xi32, #tpu.memory_space<vmem>>
      tpu.enqueue_dma source(%dma_start3A_770 : memref<72xi32, #tpu.memory_space<vmem>>) target(%dma_start3A_768 : memref<72xi32, #tpu.memory_space<hbm>>) target_semaphore(%run_scoped3A : memref<!tpu.dma_semaphore, #tpu.memory_space<semaphore_mem>>)
      %dma_wait3A = arith.constant 0 : i32
      %dma_wait3A_771 = tpu.memref_slice %arg6[%dma_wait3A] : memref<80xi32, #tpu.memory_space<vmem>> -> memref<72xi32, #tpu.memory_space<vmem>>
      %dma_wait3A_772 = tpu.memref_slice %arg4[%mul3A_183] : memref<9216xi32, #tpu.memory_space<hbm>> -> memref<72xi32, #tpu.memory_space<hbm>>
      %dma_wait3A_773 = tpu.memref_slice %arg4[%mul3A_183] : memref<9216xi32, #tpu.memory_space<hbm>> -> memref<72xi32, #tpu.memory_space<hbm>>
      %dma_wait3A_774 = arith.constant 0 : i32
      %dma_wait3A_775 = tpu.memref_slice %arg6[%dma_wait3A_774] : memref<80xi32, #tpu.memory_space<vmem>> -> memref<72xi32, #tpu.memory_space<vmem>>
      tpu.wait_dma2 semaphore(%run_scoped3A : memref<!tpu.dma_semaphore, #tpu.memory_space<semaphore_mem>>) src(%dma_wait3A_775 : memref<72xi32, #tpu.memory_space<vmem>>) dst(%dma_wait3A_773 : memref<72xi32, #tpu.memory_space<hbm>>)
      tpu.yield
    }) : () -> ()
    %mul3A_184 = arith.constant 4 : i32
    %mul3A_185 = arith.muli %add3A, %mul3A_184 : i32
    %add3A_186 = arith.constant 1 : i32
    %add3A_187 = arith.addi %mul3A_185, %add3A_186 : i32
    %mul3A_188 = arith.constant 100000 : i32
    %mul3A_189 = arith.muli %add3A_187, %mul3A_188 : i32
    "tpu.region"() ({
      %run_scoped3A = tpu.sem_alloc : memref<!tpu.dma_semaphore, #tpu.memory_space<semaphore_mem>>
      %dma_start3A = tpu.memref_slice %arg2[%mul3A_189] : memref<12800000xf32, #tpu.memory_space<hbm>> -> memref<100000xf32, #tpu.memory_space<hbm>>
      %dma_start3A_766 = tpu.memref_slice %arg2[%mul3A_189] : memref<12800000xf32, #tpu.memory_space<hbm>> -> memref<100000xf32, #tpu.memory_space<hbm>>
      tpu.enqueue_dma source(%dma_start3A_766 : memref<100000xf32, #tpu.memory_space<hbm>>) target(%arg5 : memref<100000xf32, #tpu.memory_space<vmem>>) target_semaphore(%run_scoped3A : memref<!tpu.dma_semaphore, #tpu.memory_space<semaphore_mem>>)
      %dma_wait3A = tpu.memref_slice %arg2[%mul3A_189] : memref<12800000xf32, #tpu.memory_space<hbm>> -> memref<100000xf32, #tpu.memory_space<hbm>>
      %dma_wait3A_767 = tpu.memref_slice %arg2[%mul3A_189] : memref<12800000xf32, #tpu.memory_space<hbm>> -> memref<100000xf32, #tpu.memory_space<hbm>>
      tpu.wait_dma2 semaphore(%run_scoped3A : memref<!tpu.dma_semaphore, #tpu.memory_space<semaphore_mem>>) src(%dma_wait3A_767 : memref<100000xf32, #tpu.memory_space<hbm>>) dst(%arg5 : memref<100000xf32, #tpu.memory_space<vmem>>)
      tpu.yield
    }) : () -> ()
    %mul3A_190 = arith.constant 64 : i32
    %mul3A_191 = arith.muli %add3A_187, %mul3A_190 : i32
    "tpu.region"() ({
      %run_scoped3A = tpu.sem_alloc : memref<!tpu.dma_semaphore, #tpu.memory_space<semaphore_mem>>
      %dma_start3A = arith.constant 0 : i32
      %dma_start3A_766 = tpu.memref_slice %arg6[%dma_start3A] : memref<80xi32, #tpu.memory_space<vmem>> -> memref<64xi32, #tpu.memory_space<vmem>>
      %dma_start3A_767 = tpu.memref_slice %arg3[%mul3A_191] : memref<8192xi32, #tpu.memory_space<hbm>> -> memref<64xi32, #tpu.memory_space<hbm>>
      %dma_start3A_768 = arith.constant 0 : i32
      %dma_start3A_769 = tpu.memref_slice %arg6[%dma_start3A_768] : memref<80xi32, #tpu.memory_space<vmem>> -> memref<64xi32, #tpu.memory_space<vmem>>
      %dma_start3A_770 = tpu.memref_slice %arg3[%mul3A_191] : memref<8192xi32, #tpu.memory_space<hbm>> -> memref<64xi32, #tpu.memory_space<hbm>>
      tpu.enqueue_dma source(%dma_start3A_770 : memref<64xi32, #tpu.memory_space<hbm>>) target(%dma_start3A_769 : memref<64xi32, #tpu.memory_space<vmem>>) target_semaphore(%run_scoped3A : memref<!tpu.dma_semaphore, #tpu.memory_space<semaphore_mem>>)
      %dma_wait3A = arith.constant 0 : i32
      %dma_wait3A_771 = tpu.memref_slice %arg6[%dma_wait3A] : memref<80xi32, #tpu.memory_space<vmem>> -> memref<64xi32, #tpu.memory_space<vmem>>
      %dma_wait3A_772 = tpu.memref_slice %arg3[%mul3A_191] : memref<8192xi32, #tpu.memory_space<hbm>> -> memref<64xi32, #tpu.memory_space<hbm>>
      %dma_wait3A_773 = arith.constant 0 : i32
      %dma_wait3A_774 = tpu.memref_slice %arg6[%dma_wait3A_773] : memref<80xi32, #tpu.memory_space<vmem>> -> memref<64xi32, #tpu.memory_space<vmem>>
      %dma_wait3A_775 = tpu.memref_slice %arg3[%mul3A_191] : memref<8192xi32, #tpu.memory_space<hbm>> -> memref<64xi32, #tpu.memory_space<hbm>>
      tpu.wait_dma2 semaphore(%run_scoped3A : memref<!tpu.dma_semaphore, #tpu.memory_space<semaphore_mem>>) src(%dma_wait3A_775 : memref<64xi32, #tpu.memory_space<hbm>>) dst(%dma_wait3A_774 : memref<64xi32, #tpu.memory_space<vmem>>)
      tpu.yield
    }) : () -> ()
    %broadcast_in_dim3A_192 = arith.constant 0xFF800000 : f32
    %broadcast_in_dim3A_193 = vector.broadcast %broadcast_in_dim3A_192 : f32 to vector<16xf32>
    %broadcast_in_dim3A_194 = arith.constant 0 : i32
    %broadcast_in_dim3A_195 = vector.broadcast %broadcast_in_dim3A_194 : i32 to vector<16xi32>
    %scan3A_196 = arith.constant 0 : i32
    %scan3A_197 = arith.constant 6250 : i32
    %scan3A_198 = arith.addi %scan3A_196, %scan3A_197 : i32
    %scan3A_199 = arith.constant 1 : i32
    %scan3A_200:2 = scf.for %scan3A_766 = %scan3A_196 to %scan3A_198 step %scan3A_199 iter_args(%scan3A_767 = %broadcast_in_dim3A_193, %scan3A_768 = %broadcast_in_dim3A_195) -> (vector<16xf32>, vector<16xi32>)  : i32 {
      %mul3A_769 = arith.constant 16 : i32
      %mul3A_770 = arith.muli %scan3A_766, %mul3A_769 : i32
      %get3A = arith.index_cast %mul3A_770 : i32 to index
      %get3A_771 = tpu.vector_load %arg5[%get3A] {strides = array<i32>} : memref<100000xf32, #tpu.memory_space<vmem>>, vector<16xf32>,
      %get3A_772 = vector.shape_cast %get3A_771 : vector<16xf32> to vector<16xf32>
      %gt3A_773 = arith.cmpf ogt, %get3A_772, %scan3A_767 : vector<16xf32>
      %select_n3A_774 = arith.select %gt3A_773, %get3A_772, %scan3A_767 : vector<16xi1>, vector<16xf32>
      %mul3A_775 = arith.constant 16 : i32
      %mul3A_776 = arith.muli %scan3A_766, %mul3A_775 : i32
      %add3A_777 = vector.broadcast %mul3A_776 : i32 to vector<16xi32>
      %add3A_778 = arith.addi %add3A_777, %iota3A : vector<16xi32>
      %select_n3A_779 = arith.select %gt3A_773, %add3A_778, %scan3A_768 : vector<16xi1>, vector<16xi32>
      scf.yield %select_n3A_774, %select_n3A_779 : vector<16xf32>, vector<16xi32>
    }
    %scan3A_201 = arith.constant 6250 : i32
    %slice3A_202 = vector.extract_strided_slice %scan3A_200#0 {offsets = [0], sizes = [1], strides = [1]} : vector<16xf32> to vector<1xf32>
    %squeeze3A_203 = vector.extract %slice3A_202[0] : f32 from vector<1xf32>
    %slice3A_204 = vector.extract_strided_slice %scan3A_200#1 {offsets = [0], sizes = [1], strides = [1]} : vector<16xi32> to vector<1xi32>
    %squeeze3A_205 = vector.extract %slice3A_204[0] : i32 from vector<1xi32>
    %slice3A_206 = vector.extract_strided_slice %scan3A_200#0 {offsets = [1], sizes = [1], strides = [1]} : vector<16xf32> to vector<1xf32>
    %squeeze3A_207 = vector.extract %slice3A_206[0] : f32 from vector<1xf32>
    %slice3A_208 = vector.extract_strided_slice %scan3A_200#1 {offsets = [1], sizes = [1], strides = [1]} : vector<16xi32> to vector<1xi32>
    %squeeze3A_209 = vector.extract %slice3A_208[0] : i32 from vector<1xi32>
    %gt3A_210 = arith.cmpf ogt, %squeeze3A_207, %squeeze3A_203 : f32
    %eq3A_211 = arith.cmpf oeq, %squeeze3A_207, %squeeze3A_203 : f32
    %lt3A_212 = arith.cmpi slt, %squeeze3A_209, %squeeze3A_205 : i32
    %and3A_213 = arith.andi %eq3A_211, %lt3A_212 : i1
    %or3A_214 = arith.ori %gt3A_210, %and3A_213 : i1
    %select_n3A_215 = arith.select %or3A_214, %squeeze3A_207, %squeeze3A_203 : f32
    %select_n3A_216 = arith.select %or3A_214, %squeeze3A_209, %squeeze3A_205 : i32
    %slice3A_217 = vector.extract_strided_slice %scan3A_200#0 {offsets = [2], sizes = [1], strides = [1]} : vector<16xf32> to vector<1xf32>
    %squeeze3A_218 = vector.extract %slice3A_217[0] : f32 from vector<1xf32>
    %slice3A_219 = vector.extract_strided_slice %scan3A_200#1 {offsets = [2], sizes = [1], strides = [1]} : vector<16xi32> to vector<1xi32>
    %squeeze3A_220 = vector.extract %slice3A_219[0] : i32 from vector<1xi32>
    %gt3A_221 = arith.cmpf ogt, %squeeze3A_218, %select_n3A_215 : f32
    %eq3A_222 = arith.cmpf oeq, %squeeze3A_218, %select_n3A_215 : f32
    %lt3A_223 = arith.cmpi slt, %squeeze3A_220, %select_n3A_216 : i32
    %and3A_224 = arith.andi %eq3A_222, %lt3A_223 : i1
    %or3A_225 = arith.ori %gt3A_221, %and3A_224 : i1
    %select_n3A_226 = arith.select %or3A_225, %squeeze3A_218, %select_n3A_215 : f32
    %select_n3A_227 = arith.select %or3A_225, %squeeze3A_220, %select_n3A_216 : i32
    %slice3A_228 = vector.extract_strided_slice %scan3A_200#0 {offsets = [3], sizes = [1], strides = [1]} : vector<16xf32> to vector<1xf32>
    %squeeze3A_229 = vector.extract %slice3A_228[0] : f32 from vector<1xf32>
    %slice3A_230 = vector.extract_strided_slice %scan3A_200#1 {offsets = [3], sizes = [1], strides = [1]} : vector<16xi32> to vector<1xi32>
    %squeeze3A_231 = vector.extract %slice3A_230[0] : i32 from vector<1xi32>
    %gt3A_232 = arith.cmpf ogt, %squeeze3A_229, %select_n3A_226 : f32
    %eq3A_233 = arith.cmpf oeq, %squeeze3A_229, %select_n3A_226 : f32
    %lt3A_234 = arith.cmpi slt, %squeeze3A_231, %select_n3A_227 : i32
    %and3A_235 = arith.andi %eq3A_233, %lt3A_234 : i1
    %or3A_236 = arith.ori %gt3A_232, %and3A_235 : i1
    %select_n3A_237 = arith.select %or3A_236, %squeeze3A_229, %select_n3A_226 : f32
    %select_n3A_238 = arith.select %or3A_236, %squeeze3A_231, %select_n3A_227 : i32
    %slice3A_239 = vector.extract_strided_slice %scan3A_200#0 {offsets = [4], sizes = [1], strides = [1]} : vector<16xf32> to vector<1xf32>
    %squeeze3A_240 = vector.extract %slice3A_239[0] : f32 from vector<1xf32>
    %slice3A_241 = vector.extract_strided_slice %scan3A_200#1 {offsets = [4], sizes = [1], strides = [1]} : vector<16xi32> to vector<1xi32>
    %squeeze3A_242 = vector.extract %slice3A_241[0] : i32 from vector<1xi32>
    %gt3A_243 = arith.cmpf ogt, %squeeze3A_240, %select_n3A_237 : f32
    %eq3A_244 = arith.cmpf oeq, %squeeze3A_240, %select_n3A_237 : f32
    %lt3A_245 = arith.cmpi slt, %squeeze3A_242, %select_n3A_238 : i32
    %and3A_246 = arith.andi %eq3A_244, %lt3A_245 : i1
    %or3A_247 = arith.ori %gt3A_243, %and3A_246 : i1
    %select_n3A_248 = arith.select %or3A_247, %squeeze3A_240, %select_n3A_237 : f32
    %select_n3A_249 = arith.select %or3A_247, %squeeze3A_242, %select_n3A_238 : i32
    %slice3A_250 = vector.extract_strided_slice %scan3A_200#0 {offsets = [5], sizes = [1], strides = [1]} : vector<16xf32> to vector<1xf32>
    %squeeze3A_251 = vector.extract %slice3A_250[0] : f32 from vector<1xf32>
    %slice3A_252 = vector.extract_strided_slice %scan3A_200#1 {offsets = [5], sizes = [1], strides = [1]} : vector<16xi32> to vector<1xi32>
    %squeeze3A_253 = vector.extract %slice3A_252[0] : i32 from vector<1xi32>
    %gt3A_254 = arith.cmpf ogt, %squeeze3A_251, %select_n3A_248 : f32
    %eq3A_255 = arith.cmpf oeq, %squeeze3A_251, %select_n3A_248 : f32
    %lt3A_256 = arith.cmpi slt, %squeeze3A_253, %select_n3A_249 : i32
    %and3A_257 = arith.andi %eq3A_255, %lt3A_256 : i1
    %or3A_258 = arith.ori %gt3A_254, %and3A_257 : i1
    %select_n3A_259 = arith.select %or3A_258, %squeeze3A_251, %select_n3A_248 : f32
    %select_n3A_260 = arith.select %or3A_258, %squeeze3A_253, %select_n3A_249 : i32
    %slice3A_261 = vector.extract_strided_slice %scan3A_200#0 {offsets = [6], sizes = [1], strides = [1]} : vector<16xf32> to vector<1xf32>
    %squeeze3A_262 = vector.extract %slice3A_261[0] : f32 from vector<1xf32>
    %slice3A_263 = vector.extract_strided_slice %scan3A_200#1 {offsets = [6], sizes = [1], strides = [1]} : vector<16xi32> to vector<1xi32>
    %squeeze3A_264 = vector.extract %slice3A_263[0] : i32 from vector<1xi32>
    %gt3A_265 = arith.cmpf ogt, %squeeze3A_262, %select_n3A_259 : f32
    %eq3A_266 = arith.cmpf oeq, %squeeze3A_262, %select_n3A_259 : f32
    %lt3A_267 = arith.cmpi slt, %squeeze3A_264, %select_n3A_260 : i32
    %and3A_268 = arith.andi %eq3A_266, %lt3A_267 : i1
    %or3A_269 = arith.ori %gt3A_265, %and3A_268 : i1
    %select_n3A_270 = arith.select %or3A_269, %squeeze3A_262, %select_n3A_259 : f32
    %select_n3A_271 = arith.select %or3A_269, %squeeze3A_264, %select_n3A_260 : i32
    %slice3A_272 = vector.extract_strided_slice %scan3A_200#0 {offsets = [7], sizes = [1], strides = [1]} : vector<16xf32> to vector<1xf32>
    %squeeze3A_273 = vector.extract %slice3A_272[0] : f32 from vector<1xf32>
    %slice3A_274 = vector.extract_strided_slice %scan3A_200#1 {offsets = [7], sizes = [1], strides = [1]} : vector<16xi32> to vector<1xi32>
    %squeeze3A_275 = vector.extract %slice3A_274[0] : i32 from vector<1xi32>
    %gt3A_276 = arith.cmpf ogt, %squeeze3A_273, %select_n3A_270 : f32
    %eq3A_277 = arith.cmpf oeq, %squeeze3A_273, %select_n3A_270 : f32
    %lt3A_278 = arith.cmpi slt, %squeeze3A_275, %select_n3A_271 : i32
    %and3A_279 = arith.andi %eq3A_277, %lt3A_278 : i1
    %or3A_280 = arith.ori %gt3A_276, %and3A_279 : i1
    %select_n3A_281 = arith.select %or3A_280, %squeeze3A_273, %select_n3A_270 : f32
    %select_n3A_282 = arith.select %or3A_280, %squeeze3A_275, %select_n3A_271 : i32
    %slice3A_283 = vector.extract_strided_slice %scan3A_200#0 {offsets = [8], sizes = [1], strides = [1]} : vector<16xf32> to vector<1xf32>
    %squeeze3A_284 = vector.extract %slice3A_283[0] : f32 from vector<1xf32>
    %slice3A_285 = vector.extract_strided_slice %scan3A_200#1 {offsets = [8], sizes = [1], strides = [1]} : vector<16xi32> to vector<1xi32>
    %squeeze3A_286 = vector.extract %slice3A_285[0] : i32 from vector<1xi32>
    %gt3A_287 = arith.cmpf ogt, %squeeze3A_284, %select_n3A_281 : f32
    %eq3A_288 = arith.cmpf oeq, %squeeze3A_284, %select_n3A_281 : f32
    %lt3A_289 = arith.cmpi slt, %squeeze3A_286, %select_n3A_282 : i32
    %and3A_290 = arith.andi %eq3A_288, %lt3A_289 : i1
    %or3A_291 = arith.ori %gt3A_287, %and3A_290 : i1
    %select_n3A_292 = arith.select %or3A_291, %squeeze3A_284, %select_n3A_281 : f32
    %select_n3A_293 = arith.select %or3A_291, %squeeze3A_286, %select_n3A_282 : i32
    %slice3A_294 = vector.extract_strided_slice %scan3A_200#0 {offsets = [9], sizes = [1], strides = [1]} : vector<16xf32> to vector<1xf32>
    %squeeze3A_295 = vector.extract %slice3A_294[0] : f32 from vector<1xf32>
    %slice3A_296 = vector.extract_strided_slice %scan3A_200#1 {offsets = [9], sizes = [1], strides = [1]} : vector<16xi32> to vector<1xi32>
    %squeeze3A_297 = vector.extract %slice3A_296[0] : i32 from vector<1xi32>
    %gt3A_298 = arith.cmpf ogt, %squeeze3A_295, %select_n3A_292 : f32
    %eq3A_299 = arith.cmpf oeq, %squeeze3A_295, %select_n3A_292 : f32
    %lt3A_300 = arith.cmpi slt, %squeeze3A_297, %select_n3A_293 : i32
    %and3A_301 = arith.andi %eq3A_299, %lt3A_300 : i1
    %or3A_302 = arith.ori %gt3A_298, %and3A_301 : i1
    %select_n3A_303 = arith.select %or3A_302, %squeeze3A_295, %select_n3A_292 : f32
    %select_n3A_304 = arith.select %or3A_302, %squeeze3A_297, %select_n3A_293 : i32
    %slice3A_305 = vector.extract_strided_slice %scan3A_200#0 {offsets = [10], sizes = [1], strides = [1]} : vector<16xf32> to vector<1xf32>
    %squeeze3A_306 = vector.extract %slice3A_305[0] : f32 from vector<1xf32>
    %slice3A_307 = vector.extract_strided_slice %scan3A_200#1 {offsets = [10], sizes = [1], strides = [1]} : vector<16xi32> to vector<1xi32>
    %squeeze3A_308 = vector.extract %slice3A_307[0] : i32 from vector<1xi32>
    %gt3A_309 = arith.cmpf ogt, %squeeze3A_306, %select_n3A_303 : f32
    %eq3A_310 = arith.cmpf oeq, %squeeze3A_306, %select_n3A_303 : f32
    %lt3A_311 = arith.cmpi slt, %squeeze3A_308, %select_n3A_304 : i32
    %and3A_312 = arith.andi %eq3A_310, %lt3A_311 : i1
    %or3A_313 = arith.ori %gt3A_309, %and3A_312 : i1
    %select_n3A_314 = arith.select %or3A_313, %squeeze3A_306, %select_n3A_303 : f32
    %select_n3A_315 = arith.select %or3A_313, %squeeze3A_308, %select_n3A_304 : i32
    %slice3A_316 = vector.extract_strided_slice %scan3A_200#0 {offsets = [11], sizes = [1], strides = [1]} : vector<16xf32> to vector<1xf32>
    %squeeze3A_317 = vector.extract %slice3A_316[0] : f32 from vector<1xf32>
    %slice3A_318 = vector.extract_strided_slice %scan3A_200#1 {offsets = [11], sizes = [1], strides = [1]} : vector<16xi32> to vector<1xi32>
    %squeeze3A_319 = vector.extract %slice3A_318[0] : i32 from vector<1xi32>
    %gt3A_320 = arith.cmpf ogt, %squeeze3A_317, %select_n3A_314 : f32
    %eq3A_321 = arith.cmpf oeq, %squeeze3A_317, %select_n3A_314 : f32
    %lt3A_322 = arith.cmpi slt, %squeeze3A_319, %select_n3A_315 : i32
    %and3A_323 = arith.andi %eq3A_321, %lt3A_322 : i1
    %or3A_324 = arith.ori %gt3A_320, %and3A_323 : i1
    %select_n3A_325 = arith.select %or3A_324, %squeeze3A_317, %select_n3A_314 : f32
    %select_n3A_326 = arith.select %or3A_324, %squeeze3A_319, %select_n3A_315 : i32
    %slice3A_327 = vector.extract_strided_slice %scan3A_200#0 {offsets = [12], sizes = [1], strides = [1]} : vector<16xf32> to vector<1xf32>
    %squeeze3A_328 = vector.extract %slice3A_327[0] : f32 from vector<1xf32>
    %slice3A_329 = vector.extract_strided_slice %scan3A_200#1 {offsets = [12], sizes = [1], strides = [1]} : vector<16xi32> to vector<1xi32>
    %squeeze3A_330 = vector.extract %slice3A_329[0] : i32 from vector<1xi32>
    %gt3A_331 = arith.cmpf ogt, %squeeze3A_328, %select_n3A_325 : f32
    %eq3A_332 = arith.cmpf oeq, %squeeze3A_328, %select_n3A_325 : f32
    %lt3A_333 = arith.cmpi slt, %squeeze3A_330, %select_n3A_326 : i32
    %and3A_334 = arith.andi %eq3A_332, %lt3A_333 : i1
    %or3A_335 = arith.ori %gt3A_331, %and3A_334 : i1
    %select_n3A_336 = arith.select %or3A_335, %squeeze3A_328, %select_n3A_325 : f32
    %select_n3A_337 = arith.select %or3A_335, %squeeze3A_330, %select_n3A_326 : i32
    %slice3A_338 = vector.extract_strided_slice %scan3A_200#0 {offsets = [13], sizes = [1], strides = [1]} : vector<16xf32> to vector<1xf32>
    %squeeze3A_339 = vector.extract %slice3A_338[0] : f32 from vector<1xf32>
    %slice3A_340 = vector.extract_strided_slice %scan3A_200#1 {offsets = [13], sizes = [1], strides = [1]} : vector<16xi32> to vector<1xi32>
    %squeeze3A_341 = vector.extract %slice3A_340[0] : i32 from vector<1xi32>
    %gt3A_342 = arith.cmpf ogt, %squeeze3A_339, %select_n3A_336 : f32
    %eq3A_343 = arith.cmpf oeq, %squeeze3A_339, %select_n3A_336 : f32
    %lt3A_344 = arith.cmpi slt, %squeeze3A_341, %select_n3A_337 : i32
    %and3A_345 = arith.andi %eq3A_343, %lt3A_344 : i1
    %or3A_346 = arith.ori %gt3A_342, %and3A_345 : i1
    %select_n3A_347 = arith.select %or3A_346, %squeeze3A_339, %select_n3A_336 : f32
    %select_n3A_348 = arith.select %or3A_346, %squeeze3A_341, %select_n3A_337 : i32
    %slice3A_349 = vector.extract_strided_slice %scan3A_200#0 {offsets = [14], sizes = [1], strides = [1]} : vector<16xf32> to vector<1xf32>
    %squeeze3A_350 = vector.extract %slice3A_349[0] : f32 from vector<1xf32>
    %slice3A_351 = vector.extract_strided_slice %scan3A_200#1 {offsets = [14], sizes = [1], strides = [1]} : vector<16xi32> to vector<1xi32>
    %squeeze3A_352 = vector.extract %slice3A_351[0] : i32 from vector<1xi32>
    %gt3A_353 = arith.cmpf ogt, %squeeze3A_350, %select_n3A_347 : f32
    %eq3A_354 = arith.cmpf oeq, %squeeze3A_350, %select_n3A_347 : f32
    %lt3A_355 = arith.cmpi slt, %squeeze3A_352, %select_n3A_348 : i32
    %and3A_356 = arith.andi %eq3A_354, %lt3A_355 : i1
    %or3A_357 = arith.ori %gt3A_353, %and3A_356 : i1
    %select_n3A_358 = arith.select %or3A_357, %squeeze3A_350, %select_n3A_347 : f32
    %select_n3A_359 = arith.select %or3A_357, %squeeze3A_352, %select_n3A_348 : i32
    %slice3A_360 = vector.extract_strided_slice %scan3A_200#0 {offsets = [15], sizes = [1], strides = [1]} : vector<16xf32> to vector<1xf32>
    %squeeze3A_361 = vector.extract %slice3A_360[0] : f32 from vector<1xf32>
    %slice3A_362 = vector.extract_strided_slice %scan3A_200#1 {offsets = [15], sizes = [1], strides = [1]} : vector<16xi32> to vector<1xi32>
    %squeeze3A_363 = vector.extract %slice3A_362[0] : i32 from vector<1xi32>
    %gt3A_364 = arith.cmpf ogt, %squeeze3A_361, %select_n3A_358 : f32
    %eq3A_365 = arith.cmpf oeq, %squeeze3A_361, %select_n3A_358 : f32
    %lt3A_366 = arith.cmpi slt, %squeeze3A_363, %select_n3A_359 : i32
    %and3A_367 = arith.andi %eq3A_365, %lt3A_366 : i1
    %or3A_368 = arith.ori %gt3A_364, %and3A_367 : i1
    %select_n3A_369 = arith.select %or3A_368, %squeeze3A_361, %select_n3A_358 : f32
    %select_n3A_370 = arith.select %or3A_368, %squeeze3A_363, %select_n3A_359 : i32
    %broadcast_in_dim3A_371 = vector.broadcast %select_n3A_370 : i32 to vector<16xi32>
    %swap3A_372 = arith.constant 64 : index
    %swap3A_373 = tpu.vector_load %arg6[%swap3A_372] {strides = array<i32>} : memref<80xi32, #tpu.memory_space<vmem>>, vector<16xi32>,
    %swap3A_374 = vector.shape_cast %swap3A_373 : vector<16xi32> to vector<16xi32>
    %swap3A_375 = vector.shape_cast %broadcast_in_dim3A_371 : vector<16xi32> to vector<16xi32>
    tpu.vector_store %arg6[%swap3A_372], %swap3A_375 {strides = array<i32>} : memref<80xi32, #tpu.memory_space<vmem>>, vector<16xi32>,
    %mul3A_376 = arith.constant 72 : i32
    %mul3A_377 = arith.muli %add3A_187, %mul3A_376 : i32
    "tpu.region"() ({
      %run_scoped3A = tpu.sem_alloc : memref<!tpu.dma_semaphore, #tpu.memory_space<semaphore_mem>>
      %dma_start3A = arith.constant 0 : i32
      %dma_start3A_766 = tpu.memref_slice %arg6[%dma_start3A] : memref<80xi32, #tpu.memory_space<vmem>> -> memref<72xi32, #tpu.memory_space<vmem>>
      %dma_start3A_767 = tpu.memref_slice %arg4[%mul3A_377] : memref<9216xi32, #tpu.memory_space<hbm>> -> memref<72xi32, #tpu.memory_space<hbm>>
      %dma_start3A_768 = tpu.memref_slice %arg4[%mul3A_377] : memref<9216xi32, #tpu.memory_space<hbm>> -> memref<72xi32, #tpu.memory_space<hbm>>
      %dma_start3A_769 = arith.constant 0 : i32
      %dma_start3A_770 = tpu.memref_slice %arg6[%dma_start3A_769] : memref<80xi32, #tpu.memory_space<vmem>> -> memref<72xi32, #tpu.memory_space<vmem>>
      tpu.enqueue_dma source(%dma_start3A_770 : memref<72xi32, #tpu.memory_space<vmem>>) target(%dma_start3A_768 : memref<72xi32, #tpu.memory_space<hbm>>) target_semaphore(%run_scoped3A : memref<!tpu.dma_semaphore, #tpu.memory_space<semaphore_mem>>)
      %dma_wait3A = arith.constant 0 : i32
      %dma_wait3A_771 = tpu.memref_slice %arg6[%dma_wait3A] : memref<80xi32, #tpu.memory_space<vmem>> -> memref<72xi32, #tpu.memory_space<vmem>>
      %dma_wait3A_772 = tpu.memref_slice %arg4[%mul3A_377] : memref<9216xi32, #tpu.memory_space<hbm>> -> memref<72xi32, #tpu.memory_space<hbm>>
      %dma_wait3A_773 = tpu.memref_slice %arg4[%mul3A_377] : memref<9216xi32, #tpu.memory_space<hbm>> -> memref<72xi32, #tpu.memory_space<hbm>>
      %dma_wait3A_774 = arith.constant 0 : i32
      %dma_wait3A_775 = tpu.memref_slice %arg6[%dma_wait3A_774] : memref<80xi32, #tpu.memory_space<vmem>> -> memref<72xi32, #tpu.memory_space<vmem>>
      tpu.wait_dma2 semaphore(%run_scoped3A : memref<!tpu.dma_semaphore, #tpu.memory_space<semaphore_mem>>) src(%dma_wait3A_775 : memref<72xi32, #tpu.memory_space<vmem>>) dst(%dma_wait3A_773 : memref<72xi32, #tpu.memory_space<hbm>>)
      tpu.yield
    }) : () -> ()
    %mul3A_378 = arith.constant 4 : i32
    %mul3A_379 = arith.muli %add3A, %mul3A_378 : i32
    %add3A_380 = arith.constant 2 : i32
    %add3A_381 = arith.addi %mul3A_379, %add3A_380 : i32
    %mul3A_382 = arith.constant 100000 : i32
    %mul3A_383 = arith.muli %add3A_381, %mul3A_382 : i32
    "tpu.region"() ({
      %run_scoped3A = tpu.sem_alloc : memref<!tpu.dma_semaphore, #tpu.memory_space<semaphore_mem>>
      %dma_start3A = tpu.memref_slice %arg2[%mul3A_383] : memref<12800000xf32, #tpu.memory_space<hbm>> -> memref<100000xf32, #tpu.memory_space<hbm>>
      %dma_start3A_766 = tpu.memref_slice %arg2[%mul3A_383] : memref<12800000xf32, #tpu.memory_space<hbm>> -> memref<100000xf32, #tpu.memory_space<hbm>>
      tpu.enqueue_dma source(%dma_start3A_766 : memref<100000xf32, #tpu.memory_space<hbm>>) target(%arg5 : memref<100000xf32, #tpu.memory_space<vmem>>) target_semaphore(%run_scoped3A : memref<!tpu.dma_semaphore, #tpu.memory_space<semaphore_mem>>)
      %dma_wait3A = tpu.memref_slice %arg2[%mul3A_383] : memref<12800000xf32, #tpu.memory_space<hbm>> -> memref<100000xf32, #tpu.memory_space<hbm>>
      %dma_wait3A_767 = tpu.memref_slice %arg2[%mul3A_383] : memref<12800000xf32, #tpu.memory_space<hbm>> -> memref<100000xf32, #tpu.memory_space<hbm>>
      tpu.wait_dma2 semaphore(%run_scoped3A : memref<!tpu.dma_semaphore, #tpu.memory_space<semaphore_mem>>) src(%dma_wait3A_767 : memref<100000xf32, #tpu.memory_space<hbm>>) dst(%arg5 : memref<100000xf32, #tpu.memory_space<vmem>>)
      tpu.yield
    }) : () -> ()
    %mul3A_384 = arith.constant 64 : i32
    %mul3A_385 = arith.muli %add3A_381, %mul3A_384 : i32
    "tpu.region"() ({
      %run_scoped3A = tpu.sem_alloc : memref<!tpu.dma_semaphore, #tpu.memory_space<semaphore_mem>>
      %dma_start3A = arith.constant 0 : i32
      %dma_start3A_766 = tpu.memref_slice %arg6[%dma_start3A] : memref<80xi32, #tpu.memory_space<vmem>> -> memref<64xi32, #tpu.memory_space<vmem>>
      %dma_start3A_767 = tpu.memref_slice %arg3[%mul3A_385] : memref<8192xi32, #tpu.memory_space<hbm>> -> memref<64xi32, #tpu.memory_space<hbm>>
      %dma_start3A_768 = arith.constant 0 : i32
      %dma_start3A_769 = tpu.memref_slice %arg6[%dma_start3A_768] : memref<80xi32, #tpu.memory_space<vmem>> -> memref<64xi32, #tpu.memory_space<vmem>>
      %dma_start3A_770 = tpu.memref_slice %arg3[%mul3A_385] : memref<8192xi32, #tpu.memory_space<hbm>> -> memref<64xi32, #tpu.memory_space<hbm>>
      tpu.enqueue_dma source(%dma_start3A_770 : memref<64xi32, #tpu.memory_space<hbm>>) target(%dma_start3A_769 : memref<64xi32, #tpu.memory_space<vmem>>) target_semaphore(%run_scoped3A : memref<!tpu.dma_semaphore, #tpu.memory_space<semaphore_mem>>)
      %dma_wait3A = arith.constant 0 : i32
      %dma_wait3A_771 = tpu.memref_slice %arg6[%dma_wait3A] : memref<80xi32, #tpu.memory_space<vmem>> -> memref<64xi32, #tpu.memory_space<vmem>>
      %dma_wait3A_772 = tpu.memref_slice %arg3[%mul3A_385] : memref<8192xi32, #tpu.memory_space<hbm>> -> memref<64xi32, #tpu.memory_space<hbm>>
      %dma_wait3A_773 = arith.constant 0 : i32
      %dma_wait3A_774 = tpu.memref_slice %arg6[%dma_wait3A_773] : memref<80xi32, #tpu.memory_space<vmem>> -> memref<64xi32, #tpu.memory_space<vmem>>
      %dma_wait3A_775 = tpu.memref_slice %arg3[%mul3A_385] : memref<8192xi32, #tpu.memory_space<hbm>> -> memref<64xi32, #tpu.memory_space<hbm>>
      tpu.wait_dma2 semaphore(%run_scoped3A : memref<!tpu.dma_semaphore, #tpu.memory_space<semaphore_mem>>) src(%dma_wait3A_775 : memref<64xi32, #tpu.memory_space<hbm>>) dst(%dma_wait3A_774 : memref<64xi32, #tpu.memory_space<vmem>>)
      tpu.yield
    }) : () -> ()
    %broadcast_in_dim3A_386 = arith.constant 0xFF800000 : f32
    %broadcast_in_dim3A_387 = vector.broadcast %broadcast_in_dim3A_386 : f32 to vector<16xf32>
    %broadcast_in_dim3A_388 = arith.constant 0 : i32
    %broadcast_in_dim3A_389 = vector.broadcast %broadcast_in_dim3A_388 : i32 to vector<16xi32>
    %scan3A_390 = arith.constant 0 : i32
    %scan3A_391 = arith.constant 6250 : i32
    %scan3A_392 = arith.addi %scan3A_390, %scan3A_391 : i32
    %scan3A_393 = arith.constant 1 : i32
    %scan3A_394:2 = scf.for %scan3A_766 = %scan3A_390 to %scan3A_392 step %scan3A_393 iter_args(%scan3A_767 = %broadcast_in_dim3A_387, %scan3A_768 = %broadcast_in_dim3A_389) -> (vector<16xf32>, vector<16xi32>)  : i32 {
      %mul3A_769 = arith.constant 16 : i32
      %mul3A_770 = arith.muli %scan3A_766, %mul3A_769 : i32
      %get3A = arith.index_cast %mul3A_770 : i32 to index
      %get3A_771 = tpu.vector_load %arg5[%get3A] {strides = array<i32>} : memref<100000xf32, #tpu.memory_space<vmem>>, vector<16xf32>,
      %get3A_772 = vector.shape_cast %get3A_771 : vector<16xf32> to vector<16xf32>
      %gt3A_773 = arith.cmpf ogt, %get3A_772, %scan3A_767 : vector<16xf32>
      %select_n3A_774 = arith.select %gt3A_773, %get3A_772, %scan3A_767 : vector<16xi1>, vector<16xf32>
      %mul3A_775 = arith.constant 16 : i32
      %mul3A_776 = arith.muli %scan3A_766, %mul3A_775 : i32
      %add3A_777 = vector.broadcast %mul3A_776 : i32 to vector<16xi32>
      %add3A_778 = arith.addi %add3A_777, %iota3A : vector<16xi32>
      %select_n3A_779 = arith.select %gt3A_773, %add3A_778, %scan3A_768 : vector<16xi1>, vector<16xi32>
      scf.yield %select_n3A_774, %select_n3A_779 : vector<16xf32>, vector<16xi32>
    }
    %scan3A_395 = arith.constant 6250 : i32
    %slice3A_396 = vector.extract_strided_slice %scan3A_394#0 {offsets = [0], sizes = [1], strides = [1]} : vector<16xf32> to vector<1xf32>
    %squeeze3A_397 = vector.extract %slice3A_396[0] : f32 from vector<1xf32>
    %slice3A_398 = vector.extract_strided_slice %scan3A_394#1 {offsets = [0], sizes = [1], strides = [1]} : vector<16xi32> to vector<1xi32>
    %squeeze3A_399 = vector.extract %slice3A_398[0] : i32 from vector<1xi32>
    %slice3A_400 = vector.extract_strided_slice %scan3A_394#0 {offsets = [1], sizes = [1], strides = [1]} : vector<16xf32> to vector<1xf32>
    %squeeze3A_401 = vector.extract %slice3A_400[0] : f32 from vector<1xf32>
    %slice3A_402 = vector.extract_strided_slice %scan3A_394#1 {offsets = [1], sizes = [1], strides = [1]} : vector<16xi32> to vector<1xi32>
    %squeeze3A_403 = vector.extract %slice3A_402[0] : i32 from vector<1xi32>
    %gt3A_404 = arith.cmpf ogt, %squeeze3A_401, %squeeze3A_397 : f32
    %eq3A_405 = arith.cmpf oeq, %squeeze3A_401, %squeeze3A_397 : f32
    %lt3A_406 = arith.cmpi slt, %squeeze3A_403, %squeeze3A_399 : i32
    %and3A_407 = arith.andi %eq3A_405, %lt3A_406 : i1
    %or3A_408 = arith.ori %gt3A_404, %and3A_407 : i1
    %select_n3A_409 = arith.select %or3A_408, %squeeze3A_401, %squeeze3A_397 : f32
    %select_n3A_410 = arith.select %or3A_408, %squeeze3A_403, %squeeze3A_399 : i32
    %slice3A_411 = vector.extract_strided_slice %scan3A_394#0 {offsets = [2], sizes = [1], strides = [1]} : vector<16xf32> to vector<1xf32>
    %squeeze3A_412 = vector.extract %slice3A_411[0] : f32 from vector<1xf32>
    %slice3A_413 = vector.extract_strided_slice %scan3A_394#1 {offsets = [2], sizes = [1], strides = [1]} : vector<16xi32> to vector<1xi32>
    %squeeze3A_414 = vector.extract %slice3A_413[0] : i32 from vector<1xi32>
    %gt3A_415 = arith.cmpf ogt, %squeeze3A_412, %select_n3A_409 : f32
    %eq3A_416 = arith.cmpf oeq, %squeeze3A_412, %select_n3A_409 : f32
    %lt3A_417 = arith.cmpi slt, %squeeze3A_414, %select_n3A_410 : i32
    %and3A_418 = arith.andi %eq3A_416, %lt3A_417 : i1
    %or3A_419 = arith.ori %gt3A_415, %and3A_418 : i1
    %select_n3A_420 = arith.select %or3A_419, %squeeze3A_412, %select_n3A_409 : f32
    %select_n3A_421 = arith.select %or3A_419, %squeeze3A_414, %select_n3A_410 : i32
    %slice3A_422 = vector.extract_strided_slice %scan3A_394#0 {offsets = [3], sizes = [1], strides = [1]} : vector<16xf32> to vector<1xf32>
    %squeeze3A_423 = vector.extract %slice3A_422[0] : f32 from vector<1xf32>
    %slice3A_424 = vector.extract_strided_slice %scan3A_394#1 {offsets = [3], sizes = [1], strides = [1]} : vector<16xi32> to vector<1xi32>
    %squeeze3A_425 = vector.extract %slice3A_424[0] : i32 from vector<1xi32>
    %gt3A_426 = arith.cmpf ogt, %squeeze3A_423, %select_n3A_420 : f32
    %eq3A_427 = arith.cmpf oeq, %squeeze3A_423, %select_n3A_420 : f32
    %lt3A_428 = arith.cmpi slt, %squeeze3A_425, %select_n3A_421 : i32
    %and3A_429 = arith.andi %eq3A_427, %lt3A_428 : i1
    %or3A_430 = arith.ori %gt3A_426, %and3A_429 : i1
    %select_n3A_431 = arith.select %or3A_430, %squeeze3A_423, %select_n3A_420 : f32
    %select_n3A_432 = arith.select %or3A_430, %squeeze3A_425, %select_n3A_421 : i32
    %slice3A_433 = vector.extract_strided_slice %scan3A_394#0 {offsets = [4], sizes = [1], strides = [1]} : vector<16xf32> to vector<1xf32>
    %squeeze3A_434 = vector.extract %slice3A_433[0] : f32 from vector<1xf32>
    %slice3A_435 = vector.extract_strided_slice %scan3A_394#1 {offsets = [4], sizes = [1], strides = [1]} : vector<16xi32> to vector<1xi32>
    %squeeze3A_436 = vector.extract %slice3A_435[0] : i32 from vector<1xi32>
    %gt3A_437 = arith.cmpf ogt, %squeeze3A_434, %select_n3A_431 : f32
    %eq3A_438 = arith.cmpf oeq, %squeeze3A_434, %select_n3A_431 : f32
    %lt3A_439 = arith.cmpi slt, %squeeze3A_436, %select_n3A_432 : i32
    %and3A_440 = arith.andi %eq3A_438, %lt3A_439 : i1
    %or3A_441 = arith.ori %gt3A_437, %and3A_440 : i1
    %select_n3A_442 = arith.select %or3A_441, %squeeze3A_434, %select_n3A_431 : f32
    %select_n3A_443 = arith.select %or3A_441, %squeeze3A_436, %select_n3A_432 : i32
    %slice3A_444 = vector.extract_strided_slice %scan3A_394#0 {offsets = [5], sizes = [1], strides = [1]} : vector<16xf32> to vector<1xf32>
    %squeeze3A_445 = vector.extract %slice3A_444[0] : f32 from vector<1xf32>
    %slice3A_446 = vector.extract_strided_slice %scan3A_394#1 {offsets = [5], sizes = [1], strides = [1]} : vector<16xi32> to vector<1xi32>
    %squeeze3A_447 = vector.extract %slice3A_446[0] : i32 from vector<1xi32>
    %gt3A_448 = arith.cmpf ogt, %squeeze3A_445, %select_n3A_442 : f32
    %eq3A_449 = arith.cmpf oeq, %squeeze3A_445, %select_n3A_442 : f32
    %lt3A_450 = arith.cmpi slt, %squeeze3A_447, %select_n3A_443 : i32
    %and3A_451 = arith.andi %eq3A_449, %lt3A_450 : i1
    %or3A_452 = arith.ori %gt3A_448, %and3A_451 : i1
    %select_n3A_453 = arith.select %or3A_452, %squeeze3A_445, %select_n3A_442 : f32
    %select_n3A_454 = arith.select %or3A_452, %squeeze3A_447, %select_n3A_443 : i32
    %slice3A_455 = vector.extract_strided_slice %scan3A_394#0 {offsets = [6], sizes = [1], strides = [1]} : vector<16xf32> to vector<1xf32>
    %squeeze3A_456 = vector.extract %slice3A_455[0] : f32 from vector<1xf32>
    %slice3A_457 = vector.extract_strided_slice %scan3A_394#1 {offsets = [6], sizes = [1], strides = [1]} : vector<16xi32> to vector<1xi32>
    %squeeze3A_458 = vector.extract %slice3A_457[0] : i32 from vector<1xi32>
    %gt3A_459 = arith.cmpf ogt, %squeeze3A_456, %select_n3A_453 : f32
    %eq3A_460 = arith.cmpf oeq, %squeeze3A_456, %select_n3A_453 : f32
    %lt3A_461 = arith.cmpi slt, %squeeze3A_458, %select_n3A_454 : i32
    %and3A_462 = arith.andi %eq3A_460, %lt3A_461 : i1
    %or3A_463 = arith.ori %gt3A_459, %and3A_462 : i1
    %select_n3A_464 = arith.select %or3A_463, %squeeze3A_456, %select_n3A_453 : f32
    %select_n3A_465 = arith.select %or3A_463, %squeeze3A_458, %select_n3A_454 : i32
    %slice3A_466 = vector.extract_strided_slice %scan3A_394#0 {offsets = [7], sizes = [1], strides = [1]} : vector<16xf32> to vector<1xf32>
    %squeeze3A_467 = vector.extract %slice3A_466[0] : f32 from vector<1xf32>
    %slice3A_468 = vector.extract_strided_slice %scan3A_394#1 {offsets = [7], sizes = [1], strides = [1]} : vector<16xi32> to vector<1xi32>
    %squeeze3A_469 = vector.extract %slice3A_468[0] : i32 from vector<1xi32>
    %gt3A_470 = arith.cmpf ogt, %squeeze3A_467, %select_n3A_464 : f32
    %eq3A_471 = arith.cmpf oeq, %squeeze3A_467, %select_n3A_464 : f32
    %lt3A_472 = arith.cmpi slt, %squeeze3A_469, %select_n3A_465 : i32
    %and3A_473 = arith.andi %eq3A_471, %lt3A_472 : i1
    %or3A_474 = arith.ori %gt3A_470, %and3A_473 : i1
    %select_n3A_475 = arith.select %or3A_474, %squeeze3A_467, %select_n3A_464 : f32
    %select_n3A_476 = arith.select %or3A_474, %squeeze3A_469, %select_n3A_465 : i32
    %slice3A_477 = vector.extract_strided_slice %scan3A_394#0 {offsets = [8], sizes = [1], strides = [1]} : vector<16xf32> to vector<1xf32>
    %squeeze3A_478 = vector.extract %slice3A_477[0] : f32 from vector<1xf32>
    %slice3A_479 = vector.extract_strided_slice %scan3A_394#1 {offsets = [8], sizes = [1], strides = [1]} : vector<16xi32> to vector<1xi32>
    %squeeze3A_480 = vector.extract %slice3A_479[0] : i32 from vector<1xi32>
    %gt3A_481 = arith.cmpf ogt, %squeeze3A_478, %select_n3A_475 : f32
    %eq3A_482 = arith.cmpf oeq, %squeeze3A_478, %select_n3A_475 : f32
    %lt3A_483 = arith.cmpi slt, %squeeze3A_480, %select_n3A_476 : i32
    %and3A_484 = arith.andi %eq3A_482, %lt3A_483 : i1
    %or3A_485 = arith.ori %gt3A_481, %and3A_484 : i1
    %select_n3A_486 = arith.select %or3A_485, %squeeze3A_478, %select_n3A_475 : f32
    %select_n3A_487 = arith.select %or3A_485, %squeeze3A_480, %select_n3A_476 : i32
    %slice3A_488 = vector.extract_strided_slice %scan3A_394#0 {offsets = [9], sizes = [1], strides = [1]} : vector<16xf32> to vector<1xf32>
    %squeeze3A_489 = vector.extract %slice3A_488[0] : f32 from vector<1xf32>
    %slice3A_490 = vector.extract_strided_slice %scan3A_394#1 {offsets = [9], sizes = [1], strides = [1]} : vector<16xi32> to vector<1xi32>
    %squeeze3A_491 = vector.extract %slice3A_490[0] : i32 from vector<1xi32>
    %gt3A_492 = arith.cmpf ogt, %squeeze3A_489, %select_n3A_486 : f32
    %eq3A_493 = arith.cmpf oeq, %squeeze3A_489, %select_n3A_486 : f32
    %lt3A_494 = arith.cmpi slt, %squeeze3A_491, %select_n3A_487 : i32
    %and3A_495 = arith.andi %eq3A_493, %lt3A_494 : i1
    %or3A_496 = arith.ori %gt3A_492, %and3A_495 : i1
    %select_n3A_497 = arith.select %or3A_496, %squeeze3A_489, %select_n3A_486 : f32
    %select_n3A_498 = arith.select %or3A_496, %squeeze3A_491, %select_n3A_487 : i32
    %slice3A_499 = vector.extract_strided_slice %scan3A_394#0 {offsets = [10], sizes = [1], strides = [1]} : vector<16xf32> to vector<1xf32>
    %squeeze3A_500 = vector.extract %slice3A_499[0] : f32 from vector<1xf32>
    %slice3A_501 = vector.extract_strided_slice %scan3A_394#1 {offsets = [10], sizes = [1], strides = [1]} : vector<16xi32> to vector<1xi32>
    %squeeze3A_502 = vector.extract %slice3A_501[0] : i32 from vector<1xi32>
    %gt3A_503 = arith.cmpf ogt, %squeeze3A_500, %select_n3A_497 : f32
    %eq3A_504 = arith.cmpf oeq, %squeeze3A_500, %select_n3A_497 : f32
    %lt3A_505 = arith.cmpi slt, %squeeze3A_502, %select_n3A_498 : i32
    %and3A_506 = arith.andi %eq3A_504, %lt3A_505 : i1
    %or3A_507 = arith.ori %gt3A_503, %and3A_506 : i1
    %select_n3A_508 = arith.select %or3A_507, %squeeze3A_500, %select_n3A_497 : f32
    %select_n3A_509 = arith.select %or3A_507, %squeeze3A_502, %select_n3A_498 : i32
    %slice3A_510 = vector.extract_strided_slice %scan3A_394#0 {offsets = [11], sizes = [1], strides = [1]} : vector<16xf32> to vector<1xf32>
    %squeeze3A_511 = vector.extract %slice3A_510[0] : f32 from vector<1xf32>
    %slice3A_512 = vector.extract_strided_slice %scan3A_394#1 {offsets = [11], sizes = [1], strides = [1]} : vector<16xi32> to vector<1xi32>
    %squeeze3A_513 = vector.extract %slice3A_512[0] : i32 from vector<1xi32>
    %gt3A_514 = arith.cmpf ogt, %squeeze3A_511, %select_n3A_508 : f32
    %eq3A_515 = arith.cmpf oeq, %squeeze3A_511, %select_n3A_508 : f32
    %lt3A_516 = arith.cmpi slt, %squeeze3A_513, %select_n3A_509 : i32
    %and3A_517 = arith.andi %eq3A_515, %lt3A_516 : i1
    %or3A_518 = arith.ori %gt3A_514, %and3A_517 : i1
    %select_n3A_519 = arith.select %or3A_518, %squeeze3A_511, %select_n3A_508 : f32
    %select_n3A_520 = arith.select %or3A_518, %squeeze3A_513, %select_n3A_509 : i32
    %slice3A_521 = vector.extract_strided_slice %scan3A_394#0 {offsets = [12], sizes = [1], strides = [1]} : vector<16xf32> to vector<1xf32>
    %squeeze3A_522 = vector.extract %slice3A_521[0] : f32 from vector<1xf32>
    %slice3A_523 = vector.extract_strided_slice %scan3A_394#1 {offsets = [12], sizes = [1], strides = [1]} : vector<16xi32> to vector<1xi32>
    %squeeze3A_524 = vector.extract %slice3A_523[0] : i32 from vector<1xi32>
    %gt3A_525 = arith.cmpf ogt, %squeeze3A_522, %select_n3A_519 : f32
    %eq3A_526 = arith.cmpf oeq, %squeeze3A_522, %select_n3A_519 : f32
    %lt3A_527 = arith.cmpi slt, %squeeze3A_524, %select_n3A_520 : i32
    %and3A_528 = arith.andi %eq3A_526, %lt3A_527 : i1
    %or3A_529 = arith.ori %gt3A_525, %and3A_528 : i1
    %select_n3A_530 = arith.select %or3A_529, %squeeze3A_522, %select_n3A_519 : f32
    %select_n3A_531 = arith.select %or3A_529, %squeeze3A_524, %select_n3A_520 : i32
    %slice3A_532 = vector.extract_strided_slice %scan3A_394#0 {offsets = [13], sizes = [1], strides = [1]} : vector<16xf32> to vector<1xf32>
    %squeeze3A_533 = vector.extract %slice3A_532[0] : f32 from vector<1xf32>
    %slice3A_534 = vector.extract_strided_slice %scan3A_394#1 {offsets = [13], sizes = [1], strides = [1]} : vector<16xi32> to vector<1xi32>
    %squeeze3A_535 = vector.extract %slice3A_534[0] : i32 from vector<1xi32>
    %gt3A_536 = arith.cmpf ogt, %squeeze3A_533, %select_n3A_530 : f32
    %eq3A_537 = arith.cmpf oeq, %squeeze3A_533, %select_n3A_530 : f32
    %lt3A_538 = arith.cmpi slt, %squeeze3A_535, %select_n3A_531 : i32
    %and3A_539 = arith.andi %eq3A_537, %lt3A_538 : i1
    %or3A_540 = arith.ori %gt3A_536, %and3A_539 : i1
    %select_n3A_541 = arith.select %or3A_540, %squeeze3A_533, %select_n3A_530 : f32
    %select_n3A_542 = arith.select %or3A_540, %squeeze3A_535, %select_n3A_531 : i32
    %slice3A_543 = vector.extract_strided_slice %scan3A_394#0 {offsets = [14], sizes = [1], strides = [1]} : vector<16xf32> to vector<1xf32>
    %squeeze3A_544 = vector.extract %slice3A_543[0] : f32 from vector<1xf32>
    %slice3A_545 = vector.extract_strided_slice %scan3A_394#1 {offsets = [14], sizes = [1], strides = [1]} : vector<16xi32> to vector<1xi32>
    %squeeze3A_546 = vector.extract %slice3A_545[0] : i32 from vector<1xi32>
    %gt3A_547 = arith.cmpf ogt, %squeeze3A_544, %select_n3A_541 : f32
    %eq3A_548 = arith.cmpf oeq, %squeeze3A_544, %select_n3A_541 : f32
    %lt3A_549 = arith.cmpi slt, %squeeze3A_546, %select_n3A_542 : i32
    %and3A_550 = arith.andi %eq3A_548, %lt3A_549 : i1
    %or3A_551 = arith.ori %gt3A_547, %and3A_550 : i1
    %select_n3A_552 = arith.select %or3A_551, %squeeze3A_544, %select_n3A_541 : f32
    %select_n3A_553 = arith.select %or3A_551, %squeeze3A_546, %select_n3A_542 : i32
    %slice3A_554 = vector.extract_strided_slice %scan3A_394#0 {offsets = [15], sizes = [1], strides = [1]} : vector<16xf32> to vector<1xf32>
    %squeeze3A_555 = vector.extract %slice3A_554[0] : f32 from vector<1xf32>
    %slice3A_556 = vector.extract_strided_slice %scan3A_394#1 {offsets = [15], sizes = [1], strides = [1]} : vector<16xi32> to vector<1xi32>
    %squeeze3A_557 = vector.extract %slice3A_556[0] : i32 from vector<1xi32>
    %gt3A_558 = arith.cmpf ogt, %squeeze3A_555, %select_n3A_552 : f32
    %eq3A_559 = arith.cmpf oeq, %squeeze3A_555, %select_n3A_552 : f32
    %lt3A_560 = arith.cmpi slt, %squeeze3A_557, %select_n3A_553 : i32
    %and3A_561 = arith.andi %eq3A_559, %lt3A_560 : i1
    %or3A_562 = arith.ori %gt3A_558, %and3A_561 : i1
    %select_n3A_563 = arith.select %or3A_562, %squeeze3A_555, %select_n3A_552 : f32
    %select_n3A_564 = arith.select %or3A_562, %squeeze3A_557, %select_n3A_553 : i32
    %broadcast_in_dim3A_565 = vector.broadcast %select_n3A_564 : i32 to vector<16xi32>
    %swap3A_566 = arith.constant 64 : index
    %swap3A_567 = tpu.vector_load %arg6[%swap3A_566] {strides = array<i32>} : memref<80xi32, #tpu.memory_space<vmem>>, vector<16xi32>,
    %swap3A_568 = vector.shape_cast %swap3A_567 : vector<16xi32> to vector<16xi32>
    %swap3A_569 = vector.shape_cast %broadcast_in_dim3A_565 : vector<16xi32> to vector<16xi32>
    tpu.vector_store %arg6[%swap3A_566], %swap3A_569 {strides = array<i32>} : memref<80xi32, #tpu.memory_space<vmem>>, vector<16xi32>,
    %mul3A_570 = arith.constant 72 : i32
    %mul3A_571 = arith.muli %add3A_381, %mul3A_570 : i32
    "tpu.region"() ({
      %run_scoped3A = tpu.sem_alloc : memref<!tpu.dma_semaphore, #tpu.memory_space<semaphore_mem>>
      %dma_start3A = arith.constant 0 : i32
      %dma_start3A_766 = tpu.memref_slice %arg6[%dma_start3A] : memref<80xi32, #tpu.memory_space<vmem>> -> memref<72xi32, #tpu.memory_space<vmem>>
      %dma_start3A_767 = tpu.memref_slice %arg4[%mul3A_571] : memref<9216xi32, #tpu.memory_space<hbm>> -> memref<72xi32, #tpu.memory_space<hbm>>
      %dma_start3A_768 = tpu.memref_slice %arg4[%mul3A_571] : memref<9216xi32, #tpu.memory_space<hbm>> -> memref<72xi32, #tpu.memory_space<hbm>>
      %dma_start3A_769 = arith.constant 0 : i32
      %dma_start3A_770 = tpu.memref_slice %arg6[%dma_start3A_769] : memref<80xi32, #tpu.memory_space<vmem>> -> memref<72xi32, #tpu.memory_space<vmem>>
      tpu.enqueue_dma source(%dma_start3A_770 : memref<72xi32, #tpu.memory_space<vmem>>) target(%dma_start3A_768 : memref<72xi32, #tpu.memory_space<hbm>>) target_semaphore(%run_scoped3A : memref<!tpu.dma_semaphore, #tpu.memory_space<semaphore_mem>>)
      %dma_wait3A = arith.constant 0 : i32
      %dma_wait3A_771 = tpu.memref_slice %arg6[%dma_wait3A] : memref<80xi32, #tpu.memory_space<vmem>> -> memref<72xi32, #tpu.memory_space<vmem>>
      %dma_wait3A_772 = tpu.memref_slice %arg4[%mul3A_571] : memref<9216xi32, #tpu.memory_space<hbm>> -> memref<72xi32, #tpu.memory_space<hbm>>
      %dma_wait3A_773 = tpu.memref_slice %arg4[%mul3A_571] : memref<9216xi32, #tpu.memory_space<hbm>> -> memref<72xi32, #tpu.memory_space<hbm>>
      %dma_wait3A_774 = arith.constant 0 : i32
      %dma_wait3A_775 = tpu.memref_slice %arg6[%dma_wait3A_774] : memref<80xi32, #tpu.memory_space<vmem>> -> memref<72xi32, #tpu.memory_space<vmem>>
      tpu.wait_dma2 semaphore(%run_scoped3A : memref<!tpu.dma_semaphore, #tpu.memory_space<semaphore_mem>>) src(%dma_wait3A_775 : memref<72xi32, #tpu.memory_space<vmem>>) dst(%dma_wait3A_773 : memref<72xi32, #tpu.memory_space<hbm>>)
      tpu.yield
    }) : () -> ()
    %mul3A_572 = arith.constant 4 : i32
    %mul3A_573 = arith.muli %add3A, %mul3A_572 : i32
    %add3A_574 = arith.constant 3 : i32
    %add3A_575 = arith.addi %mul3A_573, %add3A_574 : i32
    %mul3A_576 = arith.constant 100000 : i32
    %mul3A_577 = arith.muli %add3A_575, %mul3A_576 : i32
    "tpu.region"() ({
      %run_scoped3A = tpu.sem_alloc : memref<!tpu.dma_semaphore, #tpu.memory_space<semaphore_mem>>
      %dma_start3A = tpu.memref_slice %arg2[%mul3A_577] : memref<12800000xf32, #tpu.memory_space<hbm>> -> memref<100000xf32, #tpu.memory_space<hbm>>
      %dma_start3A_766 = tpu.memref_slice %arg2[%mul3A_577] : memref<12800000xf32, #tpu.memory_space<hbm>> -> memref<100000xf32, #tpu.memory_space<hbm>>
      tpu.enqueue_dma source(%dma_start3A_766 : memref<100000xf32, #tpu.memory_space<hbm>>) target(%arg5 : memref<100000xf32, #tpu.memory_space<vmem>>) target_semaphore(%run_scoped3A : memref<!tpu.dma_semaphore, #tpu.memory_space<semaphore_mem>>)
      %dma_wait3A = tpu.memref_slice %arg2[%mul3A_577] : memref<12800000xf32, #tpu.memory_space<hbm>> -> memref<100000xf32, #tpu.memory_space<hbm>>
      %dma_wait3A_767 = tpu.memref_slice %arg2[%mul3A_577] : memref<12800000xf32, #tpu.memory_space<hbm>> -> memref<100000xf32, #tpu.memory_space<hbm>>
      tpu.wait_dma2 semaphore(%run_scoped3A : memref<!tpu.dma_semaphore, #tpu.memory_space<semaphore_mem>>) src(%dma_wait3A_767 : memref<100000xf32, #tpu.memory_space<hbm>>) dst(%arg5 : memref<100000xf32, #tpu.memory_space<vmem>>)
      tpu.yield
    }) : () -> ()
    %mul3A_578 = arith.constant 64 : i32
    %mul3A_579 = arith.muli %add3A_575, %mul3A_578 : i32
    "tpu.region"() ({
      %run_scoped3A = tpu.sem_alloc : memref<!tpu.dma_semaphore, #tpu.memory_space<semaphore_mem>>
      %dma_start3A = arith.constant 0 : i32
      %dma_start3A_766 = tpu.memref_slice %arg6[%dma_start3A] : memref<80xi32, #tpu.memory_space<vmem>> -> memref<64xi32, #tpu.memory_space<vmem>>
      %dma_start3A_767 = tpu.memref_slice %arg3[%mul3A_579] : memref<8192xi32, #tpu.memory_space<hbm>> -> memref<64xi32, #tpu.memory_space<hbm>>
      %dma_start3A_768 = arith.constant 0 : i32
      %dma_start3A_769 = tpu.memref_slice %arg6[%dma_start3A_768] : memref<80xi32, #tpu.memory_space<vmem>> -> memref<64xi32, #tpu.memory_space<vmem>>
      %dma_start3A_770 = tpu.memref_slice %arg3[%mul3A_579] : memref<8192xi32, #tpu.memory_space<hbm>> -> memref<64xi32, #tpu.memory_space<hbm>>
      tpu.enqueue_dma source(%dma_start3A_770 : memref<64xi32, #tpu.memory_space<hbm>>) target(%dma_start3A_769 : memref<64xi32, #tpu.memory_space<vmem>>) target_semaphore(%run_scoped3A : memref<!tpu.dma_semaphore, #tpu.memory_space<semaphore_mem>>)
      %dma_wait3A = arith.constant 0 : i32
      %dma_wait3A_771 = tpu.memref_slice %arg6[%dma_wait3A] : memref<80xi32, #tpu.memory_space<vmem>> -> memref<64xi32, #tpu.memory_space<vmem>>
      %dma_wait3A_772 = tpu.memref_slice %arg3[%mul3A_579] : memref<8192xi32, #tpu.memory_space<hbm>> -> memref<64xi32, #tpu.memory_space<hbm>>
      %dma_wait3A_773 = arith.constant 0 : i32
      %dma_wait3A_774 = tpu.memref_slice %arg6[%dma_wait3A_773] : memref<80xi32, #tpu.memory_space<vmem>> -> memref<64xi32, #tpu.memory_space<vmem>>
      %dma_wait3A_775 = tpu.memref_slice %arg3[%mul3A_579] : memref<8192xi32, #tpu.memory_space<hbm>> -> memref<64xi32, #tpu.memory_space<hbm>>
      tpu.wait_dma2 semaphore(%run_scoped3A : memref<!tpu.dma_semaphore, #tpu.memory_space<semaphore_mem>>) src(%dma_wait3A_775 : memref<64xi32, #tpu.memory_space<hbm>>) dst(%dma_wait3A_774 : memref<64xi32, #tpu.memory_space<vmem>>)
      tpu.yield
    }) : () -> ()
    %broadcast_in_dim3A_580 = arith.constant 0xFF800000 : f32
    %broadcast_in_dim3A_581 = vector.broadcast %broadcast_in_dim3A_580 : f32 to vector<16xf32>
    %broadcast_in_dim3A_582 = arith.constant 0 : i32
    %broadcast_in_dim3A_583 = vector.broadcast %broadcast_in_dim3A_582 : i32 to vector<16xi32>
    %scan3A_584 = arith.constant 0 : i32
    %scan3A_585 = arith.constant 6250 : i32
    %scan3A_586 = arith.addi %scan3A_584, %scan3A_585 : i32
    %scan3A_587 = arith.constant 1 : i32
    %scan3A_588:2 = scf.for %scan3A_766 = %scan3A_584 to %scan3A_586 step %scan3A_587 iter_args(%scan3A_767 = %broadcast_in_dim3A_581, %scan3A_768 = %broadcast_in_dim3A_583) -> (vector<16xf32>, vector<16xi32>)  : i32 {
      %mul3A_769 = arith.constant 16 : i32
      %mul3A_770 = arith.muli %scan3A_766, %mul3A_769 : i32
      %get3A = arith.index_cast %mul3A_770 : i32 to index
      %get3A_771 = tpu.vector_load %arg5[%get3A] {strides = array<i32>} : memref<100000xf32, #tpu.memory_space<vmem>>, vector<16xf32>,
      %get3A_772 = vector.shape_cast %get3A_771 : vector<16xf32> to vector<16xf32>
      %gt3A_773 = arith.cmpf ogt, %get3A_772, %scan3A_767 : vector<16xf32>
      %select_n3A_774 = arith.select %gt3A_773, %get3A_772, %scan3A_767 : vector<16xi1>, vector<16xf32>
      %mul3A_775 = arith.constant 16 : i32
      %mul3A_776 = arith.muli %scan3A_766, %mul3A_775 : i32
      %add3A_777 = vector.broadcast %mul3A_776 : i32 to vector<16xi32>
      %add3A_778 = arith.addi %add3A_777, %iota3A : vector<16xi32>
      %select_n3A_779 = arith.select %gt3A_773, %add3A_778, %scan3A_768 : vector<16xi1>, vector<16xi32>
      scf.yield %select_n3A_774, %select_n3A_779 : vector<16xf32>, vector<16xi32>
    }
    %scan3A_589 = arith.constant 6250 : i32
    %slice3A_590 = vector.extract_strided_slice %scan3A_588#0 {offsets = [0], sizes = [1], strides = [1]} : vector<16xf32> to vector<1xf32>
    %squeeze3A_591 = vector.extract %slice3A_590[0] : f32 from vector<1xf32>
    %slice3A_592 = vector.extract_strided_slice %scan3A_588#1 {offsets = [0], sizes = [1], strides = [1]} : vector<16xi32> to vector<1xi32>
    %squeeze3A_593 = vector.extract %slice3A_592[0] : i32 from vector<1xi32>
    %slice3A_594 = vector.extract_strided_slice %scan3A_588#0 {offsets = [1], sizes = [1], strides = [1]} : vector<16xf32> to vector<1xf32>
    %squeeze3A_595 = vector.extract %slice3A_594[0] : f32 from vector<1xf32>
    %slice3A_596 = vector.extract_strided_slice %scan3A_588#1 {offsets = [1], sizes = [1], strides = [1]} : vector<16xi32> to vector<1xi32>
    %squeeze3A_597 = vector.extract %slice3A_596[0] : i32 from vector<1xi32>
    %gt3A_598 = arith.cmpf ogt, %squeeze3A_595, %squeeze3A_591 : f32
    %eq3A_599 = arith.cmpf oeq, %squeeze3A_595, %squeeze3A_591 : f32
    %lt3A_600 = arith.cmpi slt, %squeeze3A_597, %squeeze3A_593 : i32
    %and3A_601 = arith.andi %eq3A_599, %lt3A_600 : i1
    %or3A_602 = arith.ori %gt3A_598, %and3A_601 : i1
    %select_n3A_603 = arith.select %or3A_602, %squeeze3A_595, %squeeze3A_591 : f32
    %select_n3A_604 = arith.select %or3A_602, %squeeze3A_597, %squeeze3A_593 : i32
    %slice3A_605 = vector.extract_strided_slice %scan3A_588#0 {offsets = [2], sizes = [1], strides = [1]} : vector<16xf32> to vector<1xf32>
    %squeeze3A_606 = vector.extract %slice3A_605[0] : f32 from vector<1xf32>
    %slice3A_607 = vector.extract_strided_slice %scan3A_588#1 {offsets = [2], sizes = [1], strides = [1]} : vector<16xi32> to vector<1xi32>
    %squeeze3A_608 = vector.extract %slice3A_607[0] : i32 from vector<1xi32>
    %gt3A_609 = arith.cmpf ogt, %squeeze3A_606, %select_n3A_603 : f32
    %eq3A_610 = arith.cmpf oeq, %squeeze3A_606, %select_n3A_603 : f32
    %lt3A_611 = arith.cmpi slt, %squeeze3A_608, %select_n3A_604 : i32
    %and3A_612 = arith.andi %eq3A_610, %lt3A_611 : i1
    %or3A_613 = arith.ori %gt3A_609, %and3A_612 : i1
    %select_n3A_614 = arith.select %or3A_613, %squeeze3A_606, %select_n3A_603 : f32
    %select_n3A_615 = arith.select %or3A_613, %squeeze3A_608, %select_n3A_604 : i32
    %slice3A_616 = vector.extract_strided_slice %scan3A_588#0 {offsets = [3], sizes = [1], strides = [1]} : vector<16xf32> to vector<1xf32>
    %squeeze3A_617 = vector.extract %slice3A_616[0] : f32 from vector<1xf32>
    %slice3A_618 = vector.extract_strided_slice %scan3A_588#1 {offsets = [3], sizes = [1], strides = [1]} : vector<16xi32> to vector<1xi32>
    %squeeze3A_619 = vector.extract %slice3A_618[0] : i32 from vector<1xi32>
    %gt3A_620 = arith.cmpf ogt, %squeeze3A_617, %select_n3A_614 : f32
    %eq3A_621 = arith.cmpf oeq, %squeeze3A_617, %select_n3A_614 : f32
    %lt3A_622 = arith.cmpi slt, %squeeze3A_619, %select_n3A_615 : i32
    %and3A_623 = arith.andi %eq3A_621, %lt3A_622 : i1
    %or3A_624 = arith.ori %gt3A_620, %and3A_623 : i1
    %select_n3A_625 = arith.select %or3A_624, %squeeze3A_617, %select_n3A_614 : f32
    %select_n3A_626 = arith.select %or3A_624, %squeeze3A_619, %select_n3A_615 : i32
    %slice3A_627 = vector.extract_strided_slice %scan3A_588#0 {offsets = [4], sizes = [1], strides = [1]} : vector<16xf32> to vector<1xf32>
    %squeeze3A_628 = vector.extract %slice3A_627[0] : f32 from vector<1xf32>
    %slice3A_629 = vector.extract_strided_slice %scan3A_588#1 {offsets = [4], sizes = [1], strides = [1]} : vector<16xi32> to vector<1xi32>
    %squeeze3A_630 = vector.extract %slice3A_629[0] : i32 from vector<1xi32>
    %gt3A_631 = arith.cmpf ogt, %squeeze3A_628, %select_n3A_625 : f32
    %eq3A_632 = arith.cmpf oeq, %squeeze3A_628, %select_n3A_625 : f32
    %lt3A_633 = arith.cmpi slt, %squeeze3A_630, %select_n3A_626 : i32
    %and3A_634 = arith.andi %eq3A_632, %lt3A_633 : i1
    %or3A_635 = arith.ori %gt3A_631, %and3A_634 : i1
    %select_n3A_636 = arith.select %or3A_635, %squeeze3A_628, %select_n3A_625 : f32
    %select_n3A_637 = arith.select %or3A_635, %squeeze3A_630, %select_n3A_626 : i32
    %slice3A_638 = vector.extract_strided_slice %scan3A_588#0 {offsets = [5], sizes = [1], strides = [1]} : vector<16xf32> to vector<1xf32>
    %squeeze3A_639 = vector.extract %slice3A_638[0] : f32 from vector<1xf32>
    %slice3A_640 = vector.extract_strided_slice %scan3A_588#1 {offsets = [5], sizes = [1], strides = [1]} : vector<16xi32> to vector<1xi32>
    %squeeze3A_641 = vector.extract %slice3A_640[0] : i32 from vector<1xi32>
    %gt3A_642 = arith.cmpf ogt, %squeeze3A_639, %select_n3A_636 : f32
    %eq3A_643 = arith.cmpf oeq, %squeeze3A_639, %select_n3A_636 : f32
    %lt3A_644 = arith.cmpi slt, %squeeze3A_641, %select_n3A_637 : i32
    %and3A_645 = arith.andi %eq3A_643, %lt3A_644 : i1
    %or3A_646 = arith.ori %gt3A_642, %and3A_645 : i1
    %select_n3A_647 = arith.select %or3A_646, %squeeze3A_639, %select_n3A_636 : f32
    %select_n3A_648 = arith.select %or3A_646, %squeeze3A_641, %select_n3A_637 : i32
    %slice3A_649 = vector.extract_strided_slice %scan3A_588#0 {offsets = [6], sizes = [1], strides = [1]} : vector<16xf32> to vector<1xf32>
    %squeeze3A_650 = vector.extract %slice3A_649[0] : f32 from vector<1xf32>
    %slice3A_651 = vector.extract_strided_slice %scan3A_588#1 {offsets = [6], sizes = [1], strides = [1]} : vector<16xi32> to vector<1xi32>
    %squeeze3A_652 = vector.extract %slice3A_651[0] : i32 from vector<1xi32>
    %gt3A_653 = arith.cmpf ogt, %squeeze3A_650, %select_n3A_647 : f32
    %eq3A_654 = arith.cmpf oeq, %squeeze3A_650, %select_n3A_647 : f32
    %lt3A_655 = arith.cmpi slt, %squeeze3A_652, %select_n3A_648 : i32
    %and3A_656 = arith.andi %eq3A_654, %lt3A_655 : i1
    %or3A_657 = arith.ori %gt3A_653, %and3A_656 : i1
    %select_n3A_658 = arith.select %or3A_657, %squeeze3A_650, %select_n3A_647 : f32
    %select_n3A_659 = arith.select %or3A_657, %squeeze3A_652, %select_n3A_648 : i32
    %slice3A_660 = vector.extract_strided_slice %scan3A_588#0 {offsets = [7], sizes = [1], strides = [1]} : vector<16xf32> to vector<1xf32>
    %squeeze3A_661 = vector.extract %slice3A_660[0] : f32 from vector<1xf32>
    %slice3A_662 = vector.extract_strided_slice %scan3A_588#1 {offsets = [7], sizes = [1], strides = [1]} : vector<16xi32> to vector<1xi32>
    %squeeze3A_663 = vector.extract %slice3A_662[0] : i32 from vector<1xi32>
    %gt3A_664 = arith.cmpf ogt, %squeeze3A_661, %select_n3A_658 : f32
    %eq3A_665 = arith.cmpf oeq, %squeeze3A_661, %select_n3A_658 : f32
    %lt3A_666 = arith.cmpi slt, %squeeze3A_663, %select_n3A_659 : i32
    %and3A_667 = arith.andi %eq3A_665, %lt3A_666 : i1
    %or3A_668 = arith.ori %gt3A_664, %and3A_667 : i1
    %select_n3A_669 = arith.select %or3A_668, %squeeze3A_661, %select_n3A_658 : f32
    %select_n3A_670 = arith.select %or3A_668, %squeeze3A_663, %select_n3A_659 : i32
    %slice3A_671 = vector.extract_strided_slice %scan3A_588#0 {offsets = [8], sizes = [1], strides = [1]} : vector<16xf32> to vector<1xf32>
    %squeeze3A_672 = vector.extract %slice3A_671[0] : f32 from vector<1xf32>
    %slice3A_673 = vector.extract_strided_slice %scan3A_588#1 {offsets = [8], sizes = [1], strides = [1]} : vector<16xi32> to vector<1xi32>
    %squeeze3A_674 = vector.extract %slice3A_673[0] : i32 from vector<1xi32>
    %gt3A_675 = arith.cmpf ogt, %squeeze3A_672, %select_n3A_669 : f32
    %eq3A_676 = arith.cmpf oeq, %squeeze3A_672, %select_n3A_669 : f32
    %lt3A_677 = arith.cmpi slt, %squeeze3A_674, %select_n3A_670 : i32
    %and3A_678 = arith.andi %eq3A_676, %lt3A_677 : i1
    %or3A_679 = arith.ori %gt3A_675, %and3A_678 : i1
    %select_n3A_680 = arith.select %or3A_679, %squeeze3A_672, %select_n3A_669 : f32
    %select_n3A_681 = arith.select %or3A_679, %squeeze3A_674, %select_n3A_670 : i32
    %slice3A_682 = vector.extract_strided_slice %scan3A_588#0 {offsets = [9], sizes = [1], strides = [1]} : vector<16xf32> to vector<1xf32>
    %squeeze3A_683 = vector.extract %slice3A_682[0] : f32 from vector<1xf32>
    %slice3A_684 = vector.extract_strided_slice %scan3A_588#1 {offsets = [9], sizes = [1], strides = [1]} : vector<16xi32> to vector<1xi32>
    %squeeze3A_685 = vector.extract %slice3A_684[0] : i32 from vector<1xi32>
    %gt3A_686 = arith.cmpf ogt, %squeeze3A_683, %select_n3A_680 : f32
    %eq3A_687 = arith.cmpf oeq, %squeeze3A_683, %select_n3A_680 : f32
    %lt3A_688 = arith.cmpi slt, %squeeze3A_685, %select_n3A_681 : i32
    %and3A_689 = arith.andi %eq3A_687, %lt3A_688 : i1
    %or3A_690 = arith.ori %gt3A_686, %and3A_689 : i1
    %select_n3A_691 = arith.select %or3A_690, %squeeze3A_683, %select_n3A_680 : f32
    %select_n3A_692 = arith.select %or3A_690, %squeeze3A_685, %select_n3A_681 : i32
    %slice3A_693 = vector.extract_strided_slice %scan3A_588#0 {offsets = [10], sizes = [1], strides = [1]} : vector<16xf32> to vector<1xf32>
    %squeeze3A_694 = vector.extract %slice3A_693[0] : f32 from vector<1xf32>
    %slice3A_695 = vector.extract_strided_slice %scan3A_588#1 {offsets = [10], sizes = [1], strides = [1]} : vector<16xi32> to vector<1xi32>
    %squeeze3A_696 = vector.extract %slice3A_695[0] : i32 from vector<1xi32>
    %gt3A_697 = arith.cmpf ogt, %squeeze3A_694, %select_n3A_691 : f32
    %eq3A_698 = arith.cmpf oeq, %squeeze3A_694, %select_n3A_691 : f32
    %lt3A_699 = arith.cmpi slt, %squeeze3A_696, %select_n3A_692 : i32
    %and3A_700 = arith.andi %eq3A_698, %lt3A_699 : i1
    %or3A_701 = arith.ori %gt3A_697, %and3A_700 : i1
    %select_n3A_702 = arith.select %or3A_701, %squeeze3A_694, %select_n3A_691 : f32
    %select_n3A_703 = arith.select %or3A_701, %squeeze3A_696, %select_n3A_692 : i32
    %slice3A_704 = vector.extract_strided_slice %scan3A_588#0 {offsets = [11], sizes = [1], strides = [1]} : vector<16xf32> to vector<1xf32>
    %squeeze3A_705 = vector.extract %slice3A_704[0] : f32 from vector<1xf32>
    %slice3A_706 = vector.extract_strided_slice %scan3A_588#1 {offsets = [11], sizes = [1], strides = [1]} : vector<16xi32> to vector<1xi32>
    %squeeze3A_707 = vector.extract %slice3A_706[0] : i32 from vector<1xi32>
    %gt3A_708 = arith.cmpf ogt, %squeeze3A_705, %select_n3A_702 : f32
    %eq3A_709 = arith.cmpf oeq, %squeeze3A_705, %select_n3A_702 : f32
    %lt3A_710 = arith.cmpi slt, %squeeze3A_707, %select_n3A_703 : i32
    %and3A_711 = arith.andi %eq3A_709, %lt3A_710 : i1
    %or3A_712 = arith.ori %gt3A_708, %and3A_711 : i1
    %select_n3A_713 = arith.select %or3A_712, %squeeze3A_705, %select_n3A_702 : f32
    %select_n3A_714 = arith.select %or3A_712, %squeeze3A_707, %select_n3A_703 : i32
    %slice3A_715 = vector.extract_strided_slice %scan3A_588#0 {offsets = [12], sizes = [1], strides = [1]} : vector<16xf32> to vector<1xf32>
    %squeeze3A_716 = vector.extract %slice3A_715[0] : f32 from vector<1xf32>
    %slice3A_717 = vector.extract_strided_slice %scan3A_588#1 {offsets = [12], sizes = [1], strides = [1]} : vector<16xi32> to vector<1xi32>
    %squeeze3A_718 = vector.extract %slice3A_717[0] : i32 from vector<1xi32>
    %gt3A_719 = arith.cmpf ogt, %squeeze3A_716, %select_n3A_713 : f32
    %eq3A_720 = arith.cmpf oeq, %squeeze3A_716, %select_n3A_713 : f32
    %lt3A_721 = arith.cmpi slt, %squeeze3A_718, %select_n3A_714 : i32
    %and3A_722 = arith.andi %eq3A_720, %lt3A_721 : i1
    %or3A_723 = arith.ori %gt3A_719, %and3A_722 : i1
    %select_n3A_724 = arith.select %or3A_723, %squeeze3A_716, %select_n3A_713 : f32
    %select_n3A_725 = arith.select %or3A_723, %squeeze3A_718, %select_n3A_714 : i32
    %slice3A_726 = vector.extract_strided_slice %scan3A_588#0 {offsets = [13], sizes = [1], strides = [1]} : vector<16xf32> to vector<1xf32>
    %squeeze3A_727 = vector.extract %slice3A_726[0] : f32 from vector<1xf32>
    %slice3A_728 = vector.extract_strided_slice %scan3A_588#1 {offsets = [13], sizes = [1], strides = [1]} : vector<16xi32> to vector<1xi32>
    %squeeze3A_729 = vector.extract %slice3A_728[0] : i32 from vector<1xi32>
    %gt3A_730 = arith.cmpf ogt, %squeeze3A_727, %select_n3A_724 : f32
    %eq3A_731 = arith.cmpf oeq, %squeeze3A_727, %select_n3A_724 : f32
    %lt3A_732 = arith.cmpi slt, %squeeze3A_729, %select_n3A_725 : i32
    %and3A_733 = arith.andi %eq3A_731, %lt3A_732 : i1
    %or3A_734 = arith.ori %gt3A_730, %and3A_733 : i1
    %select_n3A_735 = arith.select %or3A_734, %squeeze3A_727, %select_n3A_724 : f32
    %select_n3A_736 = arith.select %or3A_734, %squeeze3A_729, %select_n3A_725 : i32
    %slice3A_737 = vector.extract_strided_slice %scan3A_588#0 {offsets = [14], sizes = [1], strides = [1]} : vector<16xf32> to vector<1xf32>
    %squeeze3A_738 = vector.extract %slice3A_737[0] : f32 from vector<1xf32>
    %slice3A_739 = vector.extract_strided_slice %scan3A_588#1 {offsets = [14], sizes = [1], strides = [1]} : vector<16xi32> to vector<1xi32>
    %squeeze3A_740 = vector.extract %slice3A_739[0] : i32 from vector<1xi32>
    %gt3A_741 = arith.cmpf ogt, %squeeze3A_738, %select_n3A_735 : f32
    %eq3A_742 = arith.cmpf oeq, %squeeze3A_738, %select_n3A_735 : f32
    %lt3A_743 = arith.cmpi slt, %squeeze3A_740, %select_n3A_736 : i32
    %and3A_744 = arith.andi %eq3A_742, %lt3A_743 : i1
    %or3A_745 = arith.ori %gt3A_741, %and3A_744 : i1
    %select_n3A_746 = arith.select %or3A_745, %squeeze3A_738, %select_n3A_735 : f32
    %select_n3A_747 = arith.select %or3A_745, %squeeze3A_740, %select_n3A_736 : i32
    %slice3A_748 = vector.extract_strided_slice %scan3A_588#0 {offsets = [15], sizes = [1], strides = [1]} : vector<16xf32> to vector<1xf32>
    %squeeze3A_749 = vector.extract %slice3A_748[0] : f32 from vector<1xf32>
    %slice3A_750 = vector.extract_strided_slice %scan3A_588#1 {offsets = [15], sizes = [1], strides = [1]} : vector<16xi32> to vector<1xi32>
    %squeeze3A_751 = vector.extract %slice3A_750[0] : i32 from vector<1xi32>
    %gt3A_752 = arith.cmpf ogt, %squeeze3A_749, %select_n3A_746 : f32
    %eq3A_753 = arith.cmpf oeq, %squeeze3A_749, %select_n3A_746 : f32
    %lt3A_754 = arith.cmpi slt, %squeeze3A_751, %select_n3A_747 : i32
    %and3A_755 = arith.andi %eq3A_753, %lt3A_754 : i1
    %or3A_756 = arith.ori %gt3A_752, %and3A_755 : i1
    %select_n3A_757 = arith.select %or3A_756, %squeeze3A_749, %select_n3A_746 : f32
    %select_n3A_758 = arith.select %or3A_756, %squeeze3A_751, %select_n3A_747 : i32
    %broadcast_in_dim3A_759 = vector.broadcast %select_n3A_758 : i32 to vector<16xi32>
    %swap3A_760 = arith.constant 64 : index
    %swap3A_761 = tpu.vector_load %arg6[%swap3A_760] {strides = array<i32>} : memref<80xi32, #tpu.memory_space<vmem>>, vector<16xi32>,
    %swap3A_762 = vector.shape_cast %swap3A_761 : vector<16xi32> to vector<16xi32>
    %swap3A_763 = vector.shape_cast %broadcast_in_dim3A_759 : vector<16xi32> to vector<16xi32>
    tpu.vector_store %arg6[%swap3A_760], %swap3A_763 {strides = array<i32>} : memref<80xi32, #tpu.memory_space<vmem>>, vector<16xi32>,
    %mul3A_764 = arith.constant 72 : i32
    %mul3A_765 = arith.muli %add3A_575, %mul3A_764 : i32
    "tpu.region"() ({
      %run_scoped3A = tpu.sem_alloc : memref<!tpu.dma_semaphore, #tpu.memory_space<semaphore_mem>>
      %dma_start3A = arith.constant 0 : i32
      %dma_start3A_766 = tpu.memref_slice %arg6[%dma_start3A] : memref<80xi32, #tpu.memory_space<vmem>> -> memref<72xi32, #tpu.memory_space<vmem>>
      %dma_start3A_767 = tpu.memref_slice %arg4[%mul3A_765] : memref<9216xi32, #tpu.memory_space<hbm>> -> memref<72xi32, #tpu.memory_space<hbm>>
      %dma_start3A_768 = tpu.memref_slice %arg4[%mul3A_765] : memref<9216xi32, #tpu.memory_space<hbm>> -> memref<72xi32, #tpu.memory_space<hbm>>
      %dma_start3A_769 = arith.constant 0 : i32
      %dma_start3A_770 = tpu.memref_slice %arg6[%dma_start3A_769] : memref<80xi32, #tpu.memory_space<vmem>> -> memref<72xi32, #tpu.memory_space<vmem>>
      tpu.enqueue_dma source(%dma_start3A_770 : memref<72xi32, #tpu.memory_space<vmem>>) target(%dma_start3A_768 : memref<72xi32, #tpu.memory_space<hbm>>) target_semaphore(%run_scoped3A : memref<!tpu.dma_semaphore, #tpu.memory_space<semaphore_mem>>)
      %dma_wait3A = arith.constant 0 : i32
      %dma_wait3A_771 = tpu.memref_slice %arg6[%dma_wait3A] : memref<80xi32, #tpu.memory_space<vmem>> -> memref<72xi32, #tpu.memory_space<vmem>>
      %dma_wait3A_772 = tpu.memref_slice %arg4[%mul3A_765] : memref<9216xi32, #tpu.memory_space<hbm>> -> memref<72xi32, #tpu.memory_space<hbm>>
      %dma_wait3A_773 = tpu.memref_slice %arg4[%mul3A_765] : memref<9216xi32, #tpu.memory_space<hbm>> -> memref<72xi32, #tpu.memory_space<hbm>>
      %dma_wait3A_774 = arith.constant 0 : i32
      %dma_wait3A_775 = tpu.memref_slice %arg6[%dma_wait3A_774] : memref<80xi32, #tpu.memory_space<vmem>> -> memref<72xi32, #tpu.memory_space<vmem>>
      tpu.wait_dma2 semaphore(%run_scoped3A : memref<!tpu.dma_semaphore, #tpu.memory_space<semaphore_mem>>) src(%dma_wait3A_775 : memref<72xi32, #tpu.memory_space<vmem>>) dst(%dma_wait3A_773 : memref<72xi32, #tpu.memory_space<hbm>>)
      tpu.yield
    }) : () -> ()
    return
  }
}

</mosaic_0001>

<sc_bundles>
// kernel: _greedy.3.cloned.1.call-start
scs
__scs_entry_jumppad:
0x0: {  	(pc) =	sbr.rel $0x88, $3  }
0x1: {  	(tag) =	ssettag $0x0;
	lr =	simm.s32 $0x1  }
0x2: {  	[smem:$0x3F9F] =	sst lr;
	_ =	strace $0xD0000000  }
0x3: {  	_ = 	snop  }
0x4: {  	_ = 	snop  }
0x5: {  	_ = 	snop  }
0x6: {  	_ = 	snop  }
0x7: {  	_ = 	snop  }
__scs_overlays_trampoline_lowered:
0x8: {  	[smem:$0x3FAE] =	sst s0  }
0x9: {  	[smem:$0x3FAF] =	sst s1  }
0xa: {  	[smem:$0x3FB0] =	sst s2  }
0xb: {  	[smem:$0x3FB1] =	sst s3  }
0xc: {  	[smem:$0x3FB2] =	sst s4  }
0xd: {  	[smem:$0x3FB3] =	sst s5  }
0xe: {  	[smem:$0x3FB4] =	sst s6  }
0xf: {  	[smem:$0x3FB5] =	sst s7  }
0x10: {  	[smem:$0x3FB6] =	sst s8  }
0x11: {  	[smem:$0x3FB7] =	sst s9;
	s0 =	simm.s32 @!p0 $0x0  }
0x12: {  	s1 =	sld [smem:$0x3F9D];
	s0 =	simm.s32 @p0 $0x1  }
0x13: {  	[smem:$0x3FB8] =	sst s0;
	s0 =	simm.s32 @!p1 $0x0  }
0x14: {  	s2 =	sld [smem:$0x3F9C];
	s0 =	simm.s32 @p1 $0x1  }
0x15: {  	[smem:$0x3FB9] =	sst s0;
	s0 =	simm.s32 @!p2 $0x0  }
0x16: {  	s3 =	sld [smem:$0x3FDB];
	s0 =	simm.s32 @p2 $0x1  }
0x17: {  	s4 =	simm.s32 $0x1BF5;
	[smem:$0x3FBB] =	sst s0  }
0x18: {  	s0 =	sld [smem:$0x3F9E];
	_ =	swait.ge [sflag:s4], $0x0  }
0x19: {  	s7 =	sld [smem:$0x3F9F]  }
0x1a: {  	s8 =	sadd.s32 $0xFFFFE003, lr  }
0x1b: {  	s9 =	sadd.s32 $0xFFFFFEF7, lr;
	s5 =	simm.s32 $0xFFFFFFFF;
	p2 =	slt.u32 s8, $0xFFFFF086  }
0x1c: {  	p1 =	slt.u32 s9, $0xF7A;
	s5 =	simm.s32 @!p2 $0x0  }
0x1d: {  	s5 =	simm.s32 @p1 $0x1;
	p0 =	seq.s32 s7, s2  }
0x1e: {  	s7 =	smul.u32 @!p0 $0xF7A, s2;
	p2 =	seq.s32 @!p0 s5, $0x0  }
0x1f: {  	s9 =	smul.u32 $0xF7A, s1;
	s8 =	simm.s32 @!p0 $0x1BF5;
	p2 =	por !p2, p0  }
0x20: {  	[sflag:s8] =	ssyncset.s32 @!p0 $0xFFFFF086;
	s6 =	sadd.s32 @!p0 s3, s7;
	s7 =	simm.s32 @!p0 $0x108  }
0x21: {  	s3 =	sadd.s32 s3, s9;
	s6 =	sadd.s32 @!p0 $0x88, s6;
	s7 =	simm.s32 @p2 $0x1082  }
0x22: {  	[simem:s7], [sflag:s8] =	dma.local @!p0 [hbm:s6], $0xF7A  }
0x23: {  	s9 =	sor.u32 $0xD0000000, s2;
	s6 =	simm.s32 $0x108;
	_ =	swait.ge @!p0 [sflag:s8], $0x0  }
0x24: {  	s3 =	sadd.s32 $0x88, s3;
	s6 =	simm.s32 @!p1 $0x1082;
	[sflag:s4] =	ssyncset.s32 $0xFFFFF086  }
0x25: {  	[simem:s6], [sflag:s4] =	dma.local [hbm:s3], $0xF7A  }
0x26: {  	[smem:$0x3F9F] =	sst s1;
	(tag) =	ssettag s2;
	_ =	strace s9  }
0x27: {  	s1 =	sld [smem:$0x3FAF]  }
0x28: {  	s2 =	sld [smem:$0x3FB0]  }
0x29: {  	s4 =	sld [smem:$0x3FB2]  }
0x2a: {  	p0 =	seq.s32 s5, $0x0;
	s5 =	sld [smem:$0x3FB3]  }
0x2b: {  	s6 =	sld [smem:$0x3FB4]  }
0x2c: {  	s7 =	sld [smem:$0x3FB5]  }
0x2d: {  	s3 =	simm.s32 $0x108;
	s8 =	sld [smem:$0x3FB6]  }
0x2e: {  	s3 =	simm.s32 @!p0 $0x1082;
	s9 =	sld [smem:$0x3FB7]  }
0x2f: {  	lr =	sadd.s32 s0, s3;
	s0 =	sld [smem:$0x3FAE]  }
0x30: {  	s3 =	sld [smem:$0x3FB1]  }
0x31: {  	[smem:$0x3FBA] =	sst s10  }
0x32: {  	s10 =	sld [smem:$0x3FB8];
	_ =	sdelay $0x3  }
0x33: {  	p0 =	seq.s32 s10, $0x1;
	s10 =	sld [smem:$0x3FBA];
	_ =	sdelay $0x3  }
0x34: {  	[smem:$0x3FBA] =	sst s10  }
0x35: {  	s10 =	sld [smem:$0x3FB9];
	_ =	sdelay $0x3  }
0x36: {  	p1 =	seq.s32 s10, $0x1;
	s10 =	sld [smem:$0x3FBA];
	_ =	sdelay $0x3  }
0x37: {  	[smem:$0x3FBA] =	sst s10  }
0x38: {  	s10 =	sld [smem:$0x3FBB]  }
0x39: {  	_ = 	snop;
	(pc) =	sbr.ind lr, $3  }
0x3a: {  	_ = 	snop  }
0x3b: {  	_ = 	snop  }
0x3c: {  	p2 =	seq.s32 s10, $0x1;
	s10 =	sld [smem:$0x3FBA]  }
0x3d: {  	_ =	shalt  }
0x3e: {  	_ =	shalt  }
0x3f: {  	_ =	shalt  }
0x40: {  	_ =	shalt  }
0x41: {  	_ =	shalt  }
0x42: {  	_ =	shalt  }
0x43: {  	_ =	shalt  }
0x44: {  	_ =	shalt  }
0x45: {  	_ =	shalt  }
0x46: {  	_ =	shalt  }
0x47: {  	_ =	shalt  }
0x48: {  	_ =	shalt  }
0x49: {  	_ =	shalt  }
0x4a: {  	_ =	shalt  }
0x4b: {  	_ =	shalt  }
0x4c: {  	_ =	shalt  }
0x4d: {  	_ =	shalt  }
0x4e: {  	_ =	shalt  }
0x4f: {  	_ =	shalt  }
0x50: {  	_ =	shalt  }
0x51: {  	_ =	shalt  }
0x52: {  	_ =	shalt  }
0x53: {  	_ =	shalt  }
0x54: {  	_ =	shalt  }
0x55: {  	_ =	shalt  }
0x56: {  	_ =	shalt  }
0x57: {  	_ =	shalt  }
0x58: {  	_ =	shalt  }
0x59: {  	_ =	shalt  }
0x5a: {  	_ =	shalt  }
0x5b: {  	_ =	shalt  }
0x5c: {  	_ =	shalt  }
0x5d: {  	_ =	shalt  }
0x5e: {  	_ =	shalt  }
0x5f: {  	_ =	shalt  }
0x60: {  	_ =	shalt  }
0x61: {  	_ =	shalt  }
0x62: {  	_ =	shalt  }
0x63: {  	_ =	shalt  }
0x64: {  	_ =	shalt  }
0x65: {  	_ =	shalt  }
0x66: {  	_ =	shalt  }
0x67: {  	_ =	shalt  }
0x68: {  	_ =	shalt  }
0x69: {  	_ =	shalt  }
0x6a: {  	_ =	shalt  }
0x6b: {  	_ =	shalt  }
0x6c: {  	_ =	shalt  }
0x6d: {  	_ =	shalt  }
0x6e: {  	_ =	shalt  }
0x6f: {  	_ =	shalt  }
0x70: {  	_ =	shalt  }
0x71: {  	_ =	shalt  }
0x72: {  	_ =	shalt  }
0x73: {  	_ =	shalt  }
0x74: {  	_ =	shalt  }
0x75: {  	_ =	shalt  }
0x76: {  	_ =	shalt  }
0x77: {  	_ =	shalt  }
0x78: {  	_ =	shalt  }
0x79: {  	_ =	shalt  }
0x7a: {  	_ =	shalt  }
0x7b: {  	_ =	shalt  }
0x7c: {  	_ =	shalt  }
0x7d: {  	_ =	shalt  }
0x7e: {  	_ =	shalt  }
0x7f: {  	_ =	shalt  }
0x80: {  	_ =	shalt  }
0x81: {  	_ =	shalt  }
0x82: {  	_ =	shalt  }
0x83: {  	_ =	shalt  }
0x84: {  	_ =	shalt  }
0x85: {  	_ =	shalt  }
0x86: {  	_ =	shalt  }
0x87: {  	_ =	shalt  }
.Lfunc_end0:
.L_simem_size_0:
called_computation_lowered:
.L_overlay_start_0:
0x88: {  	s2 =	sld [smem:$0x3FD9]  }
0x89: {  	s3 =	sld [smem:$0x3FFE];
	_ =	sdelay $0x1  }
0x8a: {  	s1 =	srdreg.scid  }
0x8b: {  	s0 =	sand.u32 $0x1, s1  }
0x8c: {  	s17 =	sshll.u32 s0, $0xA;
	s2 =	sadd.s32 s3, s2  }
0x8d: {  	s2 =	sadd.s32 s2, s17  }
0x8e: {  	[smem:$0x3FC6] =	sst s2  }
0x8f: {  	_ = 	snop  }
0x90: {  	s2 =	sld [smem:$0x3FD0];
	(tm) =	ssettm $0x1  }
0x91: {  	s18 =	sld [smem:$0x3FFB];
	_ =	sdelay $0x3  }
0x92: {  	_ =	strace s18  }
0x93: {  	s3 =	sld [smem:$0x3FFC];
	_ =	sdelay $0x3  }
0x94: {  	_ =	strace s3  }
0x95: {  	s3 =	sld [smem:$0x3FFD];
	_ =	sdelay $0x3  }
0x96: {  	_ =	strace s3  }
0x97: {  	_ =	strace $0x8FFFFFFF  }
0x98: {  	s19 =	sld [smem:$0x3FDB];
	_ =	sdelay $0x1  }
0x99: {  	s4 =	simm.s32 $_scs_section_size  }
0x9a: {  	s5 =	simm.s32 $_size__tile_overlayer_lowered;
	s6 =	simm.s32 $_tile_overlayer_lowered  }
0x9b: {  	s22 =	simm.s32 $0x1BFF;
	s21 =	sshll.u32 s6, $0x1;
	s3 =	sadd.s32 s4, s19  }
0x9c: {  	s7 =	simm.s32 $0x0;
	s20 =	sshll.u32 s5, $0x1;
	s5 =	sadd.s32 s21, s3  }
0x9d: {  	[timem:s7], [sflag:s22] =	dma.local [hbm:s5], s20  }
0x9e: {  	_ =	swait.ge [sflag:s22], s20  }
0x9f: {  	s4 =	ssub.s32 $0x0, s20;
	[sflag:s22] =	ssyncset.done $0x0  }
0xa0: {  	[sflag:s22] =	ssyncadd.s32 s4;
	_ =	sdelay $0x1  }
0xa1: {  	s23 =	simm.s32 $0x1B8B  }
0xa2: {  	_ =	swait.ge [sflag:s23], $0x1  }
0xa3: {  	[sflag:s23] =	ssyncset.done $0x0  }
0xa4: {  	s25 =	simm.s32 $0x1B8E;
	s24 =	sld [smem:$0x3FFE];
	[sflag:s23] =	ssyncadd.s32 $0xFFFFFFFF  }
0xa5: {  	s26 =	simm.s32 $execute0_lowered;
	[smem:$0x3FD2] =	sst s25  }
0xa6: {  	s5 =	sshll.u32 s26, $0x1;
	_ =	strace $0x80000046;
	[dreg:$0x1] =	wrdreg $0xFFFFFFFF  }
0xa7: {  	s28 =	simm.s32 $_size_execute0_lowered;
	s3 =	sadd.s32 s3, s5;
	[dreg:$0x0] =	wrdreg $0x0  }
0xa8: {  	s5 =	sshll.u32 s28, $0x1;
	[dreg:$0x2] =	wrdreg s3  }
0xa9: {  	[dreg:$0x3] =	wrdreg s5  }
0xaa: {  	[dreg:$0x4] =	wrdreg $0xC0  }
0xab: {  	_ =	task [dreg:s7], $0x5FFFF  }
0xac: {  	[dreg:$0x1] =	wrdreg $0xFFFFFFFF  }
0xad: {  	[dreg:$0x0] =	wrdreg $0x60  }
0xae: {  	[dreg:$0x2] =	wrdreg s24  }
0xaf: {  	[dreg:$0x3] =	wrdreg s2  }
0xb0: {  	[dreg:$0x4] =	wrdreg $0x9  }
0xb1: {  	_ =	task.clear_ibuf [dreg:s7], $0x5FFFF;
	_ =	strace $0x90000046  }
0xb2: {  	s29 =	simm.s32 $0x9;
	_ =	strace $0x80000048  }
0xb3: {  	_ =	swait.ge [sflag:s29], $0x1  }
0xb4: {  	[sflag:s29] =	ssyncadd.s32 $0xFFFFFFFF  }
0xb5: {  	_ =	strace $0x90000048  }
0xb6: {  	_ =	sfence  }
0xb7: {  	s30 =	sld [smem:$0x0];
	_ =	sdelay $0x2  }
0xb8: {  	s31 =	sshll.u32 s1, $0xD;
	s1 =	sshrl.u32 s1, $0x2  }
0xb9: {  	s3 =	sand.u32 $0x4000, s31;
	s1 =	sadd.s32 s1, s30  }
0xba: {  	s0 =	sor.u32 s3, s0;
	s1 =	sshll.u32 s1, $0x11  }
0xbb: {  	s0 =	sor.u32 s1, s0  }
0xbc: {  	s0 =	sadd.s32 $0x8F2B, s0  }
0xbd: {  	[sflag:s0] =	ssyncadd.remote.s32 $0x1  }
0xbe: {  	_ =	sfence.sel $0xFFFF  }
0xbf: {  	[dreg:$0x0] =	wrdreg $0xFFFFFFFF;
	(pc) =	sbr.abs _section_cstart, $3  }
0xc0: {  	[dreg:$0x1] =	wrdreg $0xFFFFFFFF  }
0xc1: {  	_ =	task.clear_ibuf [dreg:s7], $0x2FFFF;
	_ =	strace $0x9FFFFFFF  }
0xc2: {  	(tm) =	ssettm $0x7FFFFFFF  }
0xc3: {  	_ =	shalt  }
tec
execute0_lowered:
.L_overlay_start_1:
0x0: {  	(tag) =	ssettag $0x1  }
0x1: {  	s3 =	rddreg [dreg:$0x0]  }
0x2: {  	s14 =	rddreg [dreg:$0x1]  }
0x3: {  	s0 =	rddreg [dreg:$0x2]  }
0x4: {  	s2 =	simm.s32 $0x0;
	s4 =	srdreg.scid;
	s1 =	stileid.u32  }
0x5: {  	[smem:$0x7FF] =	sst s2;
	s4 =	sand.u32 $0x1, s4;
	s6 =	sshll.u32 s1, $0x1  }
0x6: {  	s12 =	sadd.s32 $0x187600, s3;
	s13 =	sadd.s32 $0x600, s3;
	s8 =	sor.u32 s4, s6  }
0x7: {  	_ =	strace $0x80000047;
	s5 =	ssub.s32 $0x2, s4;
	s26 =	smul.u32 $0xC350, s8  }
0x8: {  	s25 =	sshrl.u32 s5, $0x1;
	s28 =	smul.u32 $0x24, s8;
	s17 =	sshllo.u32 s8, $0x2  }
0x9: {  	s6 =	sshll.u32 s8, $0x2;
	s4 =	sshll.u32 s8, $0x5;
	s18 =	smul.u32 $0x30D4, s17  }
0xa: {  	s15 =	ssub.s32 s5, s25;
	s7 =	sor.u32 $0x1, s6;
	s19 =	smul.u32 $0x9, s17  }
0xb: {  	s4 =	sadd.s32 s13, s4;
	s11 =	sor.u32 $0x2, s6;
	s9 =	smul.u32 $0x30D4, s7  }
0xc: {  	s31 =	sshll.u32 s17, $0x3;
	s17 =	simm.s32 $0x18700;
	s10 =	smul.u32 $0x9, s7  }
0xd: {  	s3 =	sadd.s32 s12, s26;
	s5 =	sadd.s32 s14, s28;
	s29 =	smul.u32 $0x30D4, s11  }
0xe: {  	s7 =	sshll.u32 s7, $0x3;
	s16 =	smul.u32 $0x9, s11;
	s30 =	sshll.u32 s11, $0x3  }
0xf: {  	s15 =	smax.u32 s15, $0x1;
	s7 =	sadd.s32 s13, s7;
	s6 =	sadd.s32 s12, s9  }
0x10: {  	s8 =	sadd.s32 s14, s10;
	s9 =	sadd.s32 s12, s29;
	s10 =	sadd.s32 s13, s30  }
0x11: {  	s11 =	sadd.s32 s14, s16;
	s12 =	sadd.s32 s12, s18;
	s13 =	sadd.s32 s13, s31  }
0x12: {  	v0 =	vlaneseq.u32;
	s14 =	sadd.s32 s14, s19;
	s16 =	simm.s32 $0x1;
	s18 =	simm.s32 $0x0  }
.LBB2_1:
0x13: {  	[tilespmem:s2], [sflag:$0x1] =	stream.linear.gather [hbm4b:s3+s2], $0x186A0, $0x38;
	[tilespmem:$0x18780] =	vst v63  }
0x14: {  	_ =	swait.ge [sflag:s16], $0x186A0  }
0x15: {  	[sflag:s16] =	ssyncset.done $0x0  }
0x16: {  	[sflag:s16] =	ssyncadd.s32 $0xFFFE7960  }
0x17: {  	[tilespmem:s17], [sflag:$0x1] =	stream.linear.gather [hbm4b:s4+s2], $0x40, $0x38;
	[tilespmem:$0x18780] =	vst v63  }
0x18: {  	_ =	swait.ge [sflag:s16], $0x40  }
0x19: {  	[sflag:s16] =	ssyncset.done $0x0  }
0x1a: {  	[sflag:s16] =	ssyncadd.s32 $0xFFFFFFC0  }
0x1b: {  	v1 =	vld [tilespmem:s2+$0x0];
	_ =	sdelay $0x3  }
0x1c: {  	v2 =	vimm.f32 $-Inf  }
0x1d: {  	v3 =	vimm.s32 $0x0;
	s19 =	simm.s32 $0x10;
	v4 =	vor.u32 s2, v0;
	s20 =	simm.s32 $0x10;
	vm0 =	vgt.f32 v1, v2  }
.LBB2_2:
0x1e: {  	p0 =	sne.s32 s19, $0x18690;
	v2 =	vsel vm0, v1, v2;
	v1 =	vld [tilespmem:s20+$0x0];
	v3 =	vsel vm0, v4, v3;
	s21 =	smov.u32 s19;
	s19 =	sadd.s32 $0x10, s19  }
.Ltmp0:
0x1f: {  	(pc) =	sbr.rel @p0 .LBB2_2-.Ltmp0, $2  }
0x20: {  	_ =	sdelay $0x2  }
0x21: {  	s20 =	sadd.s32 $0x10, s20;
	v4 =	vor.u32 s21, v0;
	vm0 =	vgt.f32 v1, v2  }
0x22: {  	v2 =	vsel vm0, v1, v2  }
0x23: {  	v1 =	vsel vm0, v4, v3;
	(v2sf) =	vpush v2, $0x0  }
0x24: {  	(v2sf) =	vpush v1, $0x0;
	_ =	sdelay $0x1  }
0x25: {  	(v2sf) =	vpush v2, $0x1  }
0x26: {  	(v2sf) =	vpush v1, $0x1;
	_ =	sdelay $0x4  }
0x27: {  	(v2sf) =	vpush v2, $0x2  }
0x28: {  	(v2sf) =	vpush v1, $0x2;
	_ =	sdelay $0x4  }
0x29: {  	s20 =	spop (v2sf);
	(v2sf) =	vpush v2, $0x3  }
0x2a: {  	s19 =	spop (v2sf);
	(v2sf) =	vpush v1, $0x3;
	_ =	sdelay $0x1  }
0x2b: {  	s21 =	spop (v2sf)  }
0x2c: {  	s22 =	spop (v2sf);
	p0 =	seq.f32 s21, s20  }
0x2d: {  	p1 =	slt.s32 s22, s19  }
0x2e: {  	(v2sf) =	vpush v2, $0x4;
	p2 =	sgt.f32 s21, s20;
	p0 =	por !p0, !p1  }
0x2f: {  	p0 =	por !p0, !p0  }
0x30: {  	p0 =	por p2, p0  }
0x31: {  	(v2sf) =	vpush v1, $0x4;
	s20 =	smov.u32 @p0 s21;
	s21 =	spop (v2sf)  }
0x32: {  	s19 =	smov.u32 @p0 s22;
	s22 =	spop (v2sf);
	p4 =	seq.f32 s21, s20  }
0x33: {  	p5 =	slt.s32 s22, s19  }
0x34: {  	p6 =	sgt.f32 s21, s20;
	p0 =	por !p4, !p5  }
0x35: {  	p0 =	por !p0, !p0  }
0x36: {  	(v2sf) =	vpush v2, $0x5;
	p0 =	por p6, p0  }
0x37: {  	(v2sf) =	vpush v1, $0x5;
	s20 =	smov.u32 @p0 s21;
	s21 =	spop (v2sf)  }
0x38: {  	s19 =	smov.u32 @p0 s22;
	s22 =	spop (v2sf);
	p1 =	seq.f32 s21, s20  }
0x39: {  	p2 =	slt.s32 s22, s19  }
0x3a: {  	p3 =	sgt.f32 s21, s20;
	p0 =	por !p1, !p2  }
0x3b: {  	p0 =	por !p0, !p0  }
0x3c: {  	(v2sf) =	vpush v2, $0x6;
	p0 =	por p3, p0  }
0x3d: {  	s20 =	smov.u32 @p0 s21;
	s21 =	spop (v2sf);
	(v2sf) =	vpush v1, $0x6;
	_ =	sdelay $0x2  }
0x3e: {  	s19 =	smov.u32 @p0 s22;
	s22 =	spop (v2sf);
	p4 =	seq.f32 s21, s20  }
0x3f: {  	p5 =	slt.s32 s22, s19  }
0x40: {  	p6 =	sgt.f32 s21, s20;
	(v2sf) =	vpush v2, $0x7;
	p0 =	por !p4, !p5  }
0x41: {  	p0 =	por !p0, !p0  }
0x42: {  	p0 =	por p6, p0  }
0x43: {  	s20 =	smov.u32 @p0 s21;
	s21 =	spop (v2sf);
	(v2sf) =	vpush v1, $0x7  }
0x44: {  	s19 =	smov.u32 @p0 s22;
	s22 =	spop (v2sf);
	p1 =	seq.f32 s21, s20  }
0x45: {  	p2 =	slt.s32 s22, s19  }
0x46: {  	p3 =	sgt.f32 s21, s20;
	p0 =	por !p1, !p2  }
0x47: {  	p0 =	por !p0, !p0  }
0x48: {  	(v2sf) =	vpush v2, $0x8;
	p0 =	por p3, p0  }
0x49: {  	s20 =	smov.u32 @p0 s21;
	s21 =	spop (v2sf);
	(v2sf) =	vpush v1, $0x8  }
0x4a: {  	s19 =	smov.u32 @p0 s22;
	p4 =	seq.f32 s21, s20;
	s22 =	spop (v2sf)  }
0x4b: {  	p5 =	slt.s32 s22, s19  }
0x4c: {  	p6 =	sgt.f32 s21, s20;
	p0 =	por !p4, !p5  }
0x4d: {  	p0 =	por !p0, !p0  }
0x4e: {  	(v2sf) =	vpush v2, $0x9;
	p0 =	por p6, p0  }
0x4f: {  	s20 =	smov.u32 @p0 s21;
	s21 =	spop (v2sf);
	(v2sf) =	vpush v1, $0x9;
	_ =	sdelay $0x2  }
0x50: {  	s19 =	smov.u32 @p0 s22;
	s22 =	spop (v2sf);
	p1 =	seq.f32 s21, s20  }
0x51: {  	p2 =	slt.s32 s22, s19  }
0x52: {  	p3 =	sgt.f32 s21, s20;
	(v2sf) =	vpush v2, $0xA;
	p0 =	por !p1, !p2  }
0x53: {  	p0 =	por !p0, !p0  }
0x54: {  	p0 =	por p3, p0  }
0x55: {  	s20 =	smov.u32 @p0 s21;
	s21 =	spop (v2sf);
	(v2sf) =	vpush v1, $0xA  }
0x56: {  	s19 =	smov.u32 @p0 s22;
	s22 =	spop (v2sf);
	p4 =	seq.f32 s21, s20  }
0x57: {  	p5 =	slt.s32 s22, s19  }
0x58: {  	p6 =	sgt.f32 s21, s20;
	p0 =	por !p4, !p5  }
0x59: {  	p0 =	por !p0, !p0  }
0x5a: {  	(v2sf) =	vpush v2, $0xB;
	p0 =	por p6, p0  }
0x5b: {  	s20 =	smov.u32 @p0 s21;
	s21 =	spop (v2sf);
	(v2sf) =	vpush v1, $0xB  }
0x5c: {  	s19 =	smov.u32 @p0 s22;
	p1 =	seq.f32 s21, s20;
	s22 =	spop (v2sf)  }
0x5d: {  	p2 =	slt.s32 s22, s19  }
0x5e: {  	p3 =	sgt.f32 s21, s20;
	p0 =	por !p1, !p2  }
0x5f: {  	p0 =	por !p0, !p0  }
0x60: {  	(v2sf) =	vpush v2, $0xC;
	p0 =	por p3, p0  }
0x61: {  	s20 =	smov.u32 @p0 s21;
	s21 =	spop (v2sf);
	(v2sf) =	vpush v1, $0xC;
	_ =	sdelay $0x2  }
0x62: {  	s19 =	smov.u32 @p0 s22;
	s22 =	spop (v2sf);
	p4 =	seq.f32 s21, s20  }
0x63: {  	p5 =	slt.s32 s22, s19  }
0x64: {  	p6 =	sgt.f32 s21, s20;
	(v2sf) =	vpush v2, $0xD;
	p0 =	por !p4, !p5  }
0x65: {  	(v2sf) =	vpush v1, $0xD;
	p0 =	por !p0, !p0  }
0x66: {  	p0 =	por p6, p0  }
0x67: {  	s20 =	smov.u32 @p0 s21;
	s21 =	spop (v2sf)  }
0x68: {  	s19 =	smov.u32 @p0 s22;
	s22 =	spop (v2sf);
	p1 =	seq.f32 s21, s20  }
0x69: {  	p2 =	slt.s32 s22, s19  }
0x6a: {  	(v2sf) =	vpush v2, $0xE;
	p3 =	sgt.f32 s21, s20;
	p0 =	por !p1, !p2  }
0x6b: {  	(v2sf) =	vpush v1, $0xE;
	p0 =	por !p0, !p0  }
0x6c: {  	p0 =	por p3, p0  }
0x6d: {  	s20 =	smov.u32 @p0 s21;
	s21 =	spop (v2sf)  }
0x6e: {  	s19 =	smov.u32 @p0 s22;
	p4 =	seq.f32 s21, s20;
	s22 =	spop (v2sf)  }
0x6f: {  	(v2sf) =	vpush v2, $0xF;
	p5 =	slt.s32 s22, s19  }
0x70: {  	p6 =	sgt.f32 s21, s20;
	(v2sf) =	vpush v1, $0xF;
	p0 =	por !p4, !p5  }
0x71: {  	p0 =	por !p0, !p0  }
0x72: {  	p0 =	por p6, p0  }
0x73: {  	s23 =	spop (v2sf);
	s20 =	smov.u32 @p0 s21  }
0x74: {  	s21 =	spop (v2sf);
	s19 =	smov.u32 @p0 s22;
	p1 =	seq.f32 s23, s20  }
0x75: {  	p2 =	slt.s32 s21, s19  }
0x76: {  	p3 =	sgt.f32 s23, s20;
	p0 =	por !p1, !p2  }
0x77: {  	p0 =	por !p0, !p0  }
0x78: {  	p0 =	por p3, p0  }
0x79: {  	s22 =	spop (v2sf);
	s20 =	smov.u32 @p0 s23  }
0x7a: {  	s23 =	spop (v2sf);
	s19 =	smov.u32 @p0 s21;
	p4 =	seq.f32 s22, s20  }
0x7b: {  	p5 =	slt.s32 s23, s19  }
0x7c: {  	p6 =	sgt.f32 s22, s20;
	p0 =	por !p4, !p5  }
0x7d: {  	p0 =	por !p0, !p0  }
0x7e: {  	s30 =	spop (v2sf);
	p0 =	por p6, p0  }
0x7f: {  	s20 =	smov.u32 @p0 s22;
	s19 =	smov.u32 @p0 s23;
	s22 =	spop (v2sf)  }
0x80: {  	p0 =	seq.f32 s30, s20;
	p1 =	slt.s32 s22, s19;
	s23 =	smov.u32 s19  }
0x81: {  	p2 =	sgt.f32 s30, s20;
	s23 =	smov.u32 @p1 s22  }
0x82: {  	s19 =	smov.u32 @p0 s23  }
0x83: {  	s19 =	smov.u32 @p2 s22  }
0x84: {  	v1 =	vmov s19  }
0x85: {  	s31 =	simm.s32 $0x0;
	[tilespmem:$0x18740] =	vst v1  }
0x86: {  	[hbm4b:s5+s31] =	stream.linear.scatter [tilespmem:s17], [sflag:$0x1], $0x48, $0x38;
	[tilespmem:$0x18780] =	vst v63  }
0x87: {  	_ =	swait.ge [sflag:s16], $0x48  }
0x88: {  	[sflag:s16] =	ssyncset.done $0x0  }
0x89: {  	[sflag:s16] =	ssyncadd.s32 $0xFFFFFFB8  }
0x8a: {  	[tilespmem:s31], [sflag:$0x1] =	stream.linear.gather [hbm4b:s6+s31], $0x186A0, $0x38;
	[tilespmem:$0x18780] =	vst v63  }
0x8b: {  	_ =	swait.ge [sflag:s16], $0x186A0  }
0x8c: {  	[sflag:s16] =	ssyncset.done $0x0  }
0x8d: {  	[sflag:s16] =	ssyncadd.s32 $0xFFFE7960  }
0x8e: {  	[tilespmem:s17], [sflag:$0x1] =	stream.linear.gather [hbm4b:s7+s31], $0x40, $0x38;
	[tilespmem:$0x18780] =	vst v63  }
0x8f: {  	_ =	swait.ge [sflag:s16], $0x40  }
0x90: {  	[sflag:s16] =	ssyncset.done $0x0  }
0x91: {  	[sflag:s16] =	ssyncadd.s32 $0xFFFFFFC0  }
0x92: {  	v1 =	vld [tilespmem:s31+$0x0];
	_ =	sdelay $0x3  }
0x93: {  	v2 =	vimm.f32 $-Inf  }
0x94: {  	v3 =	vimm.s32 $0x0;
	v4 =	vor.u32 s31, v0;
	s20 =	simm.s32 $0x10;
	s19 =	simm.s32 $0x10;
	vm0 =	vgt.f32 v1, v2  }
.LBB2_4:
0x95: {  	p0 =	sne.s32 s19, $0x18690;
	v2 =	vsel vm0, v1, v2;
	v1 =	vld [tilespmem:s20+$0x0];
	v3 =	vsel vm0, v4, v3;
	s21 =	smov.u32 s19;
	s19 =	sadd.s32 $0x10, s19  }
.Ltmp1:
0x96: {  	(pc) =	sbr.rel @p0 .LBB2_4-.Ltmp1, $2  }
0x97: {  	_ =	sdelay $0x2  }
0x98: {  	s20 =	sadd.s32 $0x10, s20;
	v4 =	vor.u32 s21, v0;
	vm0 =	vgt.f32 v1, v2  }
0x99: {  	v2 =	vsel vm0, v1, v2  }
0x9a: {  	v1 =	vsel vm0, v4, v3;
	(v2sf) =	vpush v2, $0x0  }
0x9b: {  	(v2sf) =	vpush v1, $0x0;
	_ =	sdelay $0x1  }
0x9c: {  	(v2sf) =	vpush v2, $0x1  }
0x9d: {  	(v2sf) =	vpush v1, $0x1;
	_ =	sdelay $0x4  }
0x9e: {  	(v2sf) =	vpush v2, $0x2  }
0x9f: {  	(v2sf) =	vpush v1, $0x2;
	_ =	sdelay $0x4  }
0xa0: {  	s20 =	spop (v2sf);
	(v2sf) =	vpush v2, $0x3  }
0xa1: {  	s19 =	spop (v2sf);
	(v2sf) =	vpush v1, $0x3;
	_ =	sdelay $0x1  }
0xa2: {  	s21 =	spop (v2sf)  }
0xa3: {  	s22 =	spop (v2sf);
	p0 =	seq.f32 s21, s20  }
0xa4: {  	p1 =	slt.s32 s22, s19  }
0xa5: {  	(v2sf) =	vpush v2, $0x4;
	p2 =	sgt.f32 s21, s20;
	p0 =	por !p0, !p1  }
0xa6: {  	p0 =	por !p0, !p0  }
0xa7: {  	p0 =	por p2, p0  }
0xa8: {  	(v2sf) =	vpush v1, $0x4;
	s20 =	smov.u32 @p0 s21;
	s21 =	spop (v2sf)  }
0xa9: {  	s19 =	smov.u32 @p0 s22;
	s22 =	spop (v2sf);
	p4 =	seq.f32 s21, s20  }
0xaa: {  	p5 =	slt.s32 s22, s19  }
0xab: {  	p6 =	sgt.f32 s21, s20;
	p0 =	por !p4, !p5  }
0xac: {  	p0 =	por !p0, !p0  }
0xad: {  	(v2sf) =	vpush v2, $0x5;
	p0 =	por p6, p0  }
0xae: {  	(v2sf) =	vpush v1, $0x5;
	s20 =	smov.u32 @p0 s21;
	s21 =	spop (v2sf)  }
0xaf: {  	s19 =	smov.u32 @p0 s22;
	s22 =	spop (v2sf);
	p1 =	seq.f32 s21, s20  }
0xb0: {  	p2 =	slt.s32 s22, s19  }
0xb1: {  	p3 =	sgt.f32 s21, s20;
	p0 =	por !p1, !p2  }
0xb2: {  	p0 =	por !p0, !p0  }
0xb3: {  	(v2sf) =	vpush v2, $0x6;
	p0 =	por p3, p0  }
0xb4: {  	s20 =	smov.u32 @p0 s21;
	s21 =	spop (v2sf);
	(v2sf) =	vpush v1, $0x6;
	_ =	sdelay $0x2  }
0xb5: {  	s19 =	smov.u32 @p0 s22;
	s22 =	spop (v2sf);
	p4 =	seq.f32 s21, s20  }
0xb6: {  	p5 =	slt.s32 s22, s19  }
0xb7: {  	p6 =	sgt.f32 s21, s20;
	(v2sf) =	vpush v2, $0x7;
	p0 =	por !p4, !p5  }
0xb8: {  	p0 =	por !p0, !p0  }
0xb9: {  	p0 =	por p6, p0  }
0xba: {  	s20 =	smov.u32 @p0 s21;
	s21 =	spop (v2sf);
	(v2sf) =	vpush v1, $0x7  }
0xbb: {  	s19 =	smov.u32 @p0 s22;
	s22 =	spop (v2sf);
	p1 =	seq.f32 s21, s20  }
0xbc: {  	p2 =	slt.s32 s22, s19  }
0xbd: {  	p3 =	sgt.f32 s21, s20;
	p0 =	por !p1, !p2  }
0xbe: {  	p0 =	por !p0, !p0  }
0xbf: {  	(v2sf) =	vpush v2, $0x8;
	p0 =	por p3, p0  }
0xc0: {  	s20 =	smov.u32 @p0 s21;
	s21 =	spop (v2sf);
	(v2sf) =	vpush v1, $0x8  }
0xc1: {  	s19 =	smov.u32 @p0 s22;
	p4 =	seq.f32 s21, s20;
	s22 =	spop (v2sf)  }
0xc2: {  	p5 =	slt.s32 s22, s19  }
0xc3: {  	p6 =	sgt.f32 s21, s20;
	p0 =	por !p4, !p5  }
0xc4: {  	p0 =	por !p0, !p0  }
0xc5: {  	(v2sf) =	vpush v2, $0x9;
	p0 =	por p6, p0  }
0xc6: {  	s20 =	smov.u32 @p0 s21;
	s21 =	spop (v2sf);
	(v2sf) =	vpush v1, $0x9;
	_ =	sdelay $0x2  }
0xc7: {  	s19 =	smov.u32 @p0 s22;
	s22 =	spop (v2sf);
	p1 =	seq.f32 s21, s20  }
0xc8: {  	p2 =	slt.s32 s22, s19  }
0xc9: {  	p3 =	sgt.f32 s21, s20;
	(v2sf) =	vpush v2, $0xA;
	p0 =	por !p1, !p2  }
0xca: {  	p0 =	por !p0, !p0  }
0xcb: {  	p0 =	por p3, p0  }
0xcc: {  	s20 =	smov.u32 @p0 s21;
	s21 =	spop (v2sf);
	(v2sf) =	vpush v1, $0xA  }
0xcd: {  	s19 =	smov.u32 @p0 s22;
	s22 =	spop (v2sf);
	p4 =	seq.f32 s21, s20  }
0xce: {  	p5 =	slt.s32 s22, s19  }
0xcf: {  	p6 =	sgt.f32 s21, s20;
	p0 =	por !p4, !p5  }
0xd0: {  	p0 =	por !p0, !p0  }
0xd1: {  	(v2sf) =	vpush v2, $0xB;
	p0 =	por p6, p0  }
0xd2: {  	s20 =	smov.u32 @p0 s21;
	s21 =	spop (v2sf);
	(v2sf) =	vpush v1, $0xB  }
0xd3: {  	s19 =	smov.u32 @p0 s22;
	p1 =	seq.f32 s21, s20;
	s22 =	spop (v2sf)  }
0xd4: {  	p2 =	slt.s32 s22, s19  }
0xd5: {  	p3 =	sgt.f32 s21, s20;
	p0 =	por !p1, !p2  }
0xd6: {  	p0 =	por !p0, !p0  }
0xd7: {  	(v2sf) =	vpush v2, $0xC;
	p0 =	por p3, p0  }
0xd8: {  	s20 =	smov.u32 @p0 s21;
	s21 =	spop (v2sf);
	(v2sf) =	vpush v1, $0xC;
	_ =	sdelay $0x2  }
0xd9: {  	s19 =	smov.u32 @p0 s22;
	s22 =	spop (v2sf);
	p4 =	seq.f32 s21, s20  }
0xda: {  	p5 =	slt.s32 s22, s19  }
0xdb: {  	p6 =	sgt.f32 s21, s20;
	(v2sf) =	vpush v2, $0xD;
	p0 =	por !p4, !p5  }
0xdc: {  	(v2sf) =	vpush v1, $0xD;
	p0 =	por !p0, !p0  }
0xdd: {  	p0 =	por p6, p0  }
0xde: {  	s20 =	smov.u32 @p0 s21;
	s21 =	spop (v2sf)  }
0xdf: {  	s19 =	smov.u32 @p0 s22;
	s22 =	spop (v2sf);
	p1 =	seq.f32 s21, s20  }
0xe0: {  	p2 =	slt.s32 s22, s19  }
0xe1: {  	(v2sf) =	vpush v2, $0xE;
	p3 =	sgt.f32 s21, s20;
	p0 =	por !p1, !p2  }
0xe2: {  	(v2sf) =	vpush v1, $0xE;
	p0 =	por !p0, !p0  }
0xe3: {  	p0 =	por p3, p0  }
0xe4: {  	s20 =	smov.u32 @p0 s21;
	s21 =	spop (v2sf)  }
0xe5: {  	s19 =	smov.u32 @p0 s22;
	p4 =	seq.f32 s21, s20;
	s22 =	spop (v2sf)  }
0xe6: {  	(v2sf) =	vpush v2, $0xF;
	p5 =	slt.s32 s22, s19  }
0xe7: {  	p6 =	sgt.f32 s21, s20;
	(v2sf) =	vpush v1, $0xF;
	p0 =	por !p4, !p5  }
0xe8: {  	p0 =	por !p0, !p0  }
0xe9: {  	p0 =	por p6, p0  }
0xea: {  	s23 =	spop (v2sf);
	s20 =	smov.u32 @p0 s21  }
0xeb: {  	s21 =	spop (v2sf);
	s19 =	smov.u32 @p0 s22;
	p1 =	seq.f32 s23, s20  }
0xec: {  	p2 =	slt.s32 s21, s19  }
0xed: {  	p3 =	sgt.f32 s23, s20;
	p0 =	por !p1, !p2  }
0xee: {  	p0 =	por !p0, !p0  }
0xef: {  	p0 =	por p3, p0  }
0xf0: {  	s22 =	spop (v2sf);
	s20 =	smov.u32 @p0 s23  }
0xf1: {  	s23 =	spop (v2sf);
	s19 =	smov.u32 @p0 s21;
	p4 =	seq.f32 s22, s20  }
0xf2: {  	p5 =	slt.s32 s23, s19  }
0xf3: {  	p6 =	sgt.f32 s22, s20;
	p0 =	por !p4, !p5  }
0xf4: {  	p0 =	por !p0, !p0  }
0xf5: {  	s30 =	spop (v2sf);
	p0 =	por p6, p0  }
0xf6: {  	s20 =	smov.u32 @p0 s22;
	s19 =	smov.u32 @p0 s23;
	s22 =	spop (v2sf)  }
0xf7: {  	p0 =	seq.f32 s30, s20;
	p1 =	slt.s32 s22, s19;
	s23 =	smov.u32 s19  }
0xf8: {  	p2 =	sgt.f32 s30, s20;
	s23 =	smov.u32 @p1 s22  }
0xf9: {  	s19 =	smov.u32 @p0 s23  }
0xfa: {  	s19 =	smov.u32 @p2 s22  }
0xfb: {  	v1 =	vmov s19  }
0xfc: {  	s31 =	simm.s32 $0x0;
	[tilespmem:$0x18740] =	vst v1  }
0xfd: {  	[hbm4b:s8+s31] =	stream.linear.scatter [tilespmem:s17], [sflag:$0x1], $0x48, $0x38;
	[tilespmem:$0x18780] =	vst v63  }
0xfe: {  	_ =	swait.ge [sflag:s16], $0x48  }
0xff: {  	[sflag:s16] =	ssyncset.done $0x0  }
0x100: {  	[sflag:s16] =	ssyncadd.s32 $0xFFFFFFB8  }
0x101: {  	[tilespmem:s31], [sflag:$0x1] =	stream.linear.gather [hbm4b:s9+s31], $0x186A0, $0x38;
	[tilespmem:$0x18780] =	vst v63  }
0x102: {  	_ =	swait.ge [sflag:s16], $0x186A0  }
0x103: {  	[sflag:s16] =	ssyncset.done $0x0  }
0x104: {  	[sflag:s16] =	ssyncadd.s32 $0xFFFE7960  }
0x105: {  	[tilespmem:s17], [sflag:$0x1] =	stream.linear.gather [hbm4b:s10+s31], $0x40, $0x38;
	[tilespmem:$0x18780] =	vst v63  }
0x106: {  	_ =	swait.ge [sflag:s16], $0x40  }
0x107: {  	[sflag:s16] =	ssyncset.done $0x0  }
0x108: {  	[sflag:s16] =	ssyncadd.s32 $0xFFFFFFC0  }
0x109: {  	v1 =	vld [tilespmem:s31+$0x0];
	_ =	sdelay $0x3  }
0x10a: {  	v2 =	vimm.f32 $-Inf  }
0x10b: {  	v3 =	vimm.s32 $0x0;
	v4 =	vor.u32 s31, v0;
	s20 =	simm.s32 $0x10;
	s19 =	simm.s32 $0x10;
	vm0 =	vgt.f32 v1, v2  }
.LBB2_6:
0x10c: {  	p0 =	sne.s32 s19, $0x18690;
	v2 =	vsel vm0, v1, v2;
	v1 =	vld [tilespmem:s20+$0x0];
	v3 =	vsel vm0, v4, v3;
	s21 =	smov.u32 s19;
	s19 =	sadd.s32 $0x10, s19  }
.Ltmp2:
0x10d: {  	(pc) =	sbr.rel @p0 .LBB2_6-.Ltmp2, $2  }
0x10e: {  	_ =	sdelay $0x2  }
0x10f: {  	s20 =	sadd.s32 $0x10, s20;
	v4 =	vor.u32 s21, v0;
	vm0 =	vgt.f32 v1, v2  }
0x110: {  	v2 =	vsel vm0, v1, v2  }
0x111: {  	v1 =	vsel vm0, v4, v3;
	(v2sf) =	vpush v2, $0x0  }
0x112: {  	(v2sf) =	vpush v1, $0x0;
	_ =	sdelay $0x1  }
0x113: {  	(v2sf) =	vpush v2, $0x1  }
0x114: {  	(v2sf) =	vpush v1, $0x1;
	_ =	sdelay $0x4  }
0x115: {  	(v2sf) =	vpush v2, $0x2  }
0x116: {  	(v2sf) =	vpush v1, $0x2;
	_ =	sdelay $0x4  }
0x117: {  	s20 =	spop (v2sf);
	(v2sf) =	vpush v2, $0x3  }
0x118: {  	s19 =	spop (v2sf);
	(v2sf) =	vpush v1, $0x3;
	_ =	sdelay $0x1  }
0x119: {  	s21 =	spop (v2sf)  }
0x11a: {  	s22 =	spop (v2sf);
	p0 =	seq.f32 s21, s20  }
0x11b: {  	p1 =	slt.s32 s22, s19  }
0x11c: {  	(v2sf) =	vpush v2, $0x4;
	p2 =	sgt.f32 s21, s20;
	p0 =	por !p0, !p1  }
0x11d: {  	p0 =	por !p0, !p0  }
0x11e: {  	p0 =	por p2, p0  }
0x11f: {  	(v2sf) =	vpush v1, $0x4;
	s20 =	smov.u32 @p0 s21;
	s21 =	spop (v2sf)  }
0x120: {  	s19 =	smov.u32 @p0 s22;
	s22 =	spop (v2sf);
	p4 =	seq.f32 s21, s20  }
0x121: {  	p5 =	slt.s32 s22, s19  }
0x122: {  	p6 =	sgt.f32 s21, s20;
	p0 =	por !p4, !p5  }
0x123: {  	p0 =	por !p0, !p0  }
0x124: {  	(v2sf) =	vpush v2, $0x5;
	p0 =	por p6, p0  }
0x125: {  	(v2sf) =	vpush v1, $0x5;
	s20 =	smov.u32 @p0 s21;
	s21 =	spop (v2sf)  }
0x126: {  	s19 =	smov.u32 @p0 s22;
	s22 =	spop (v2sf);
	p1 =	seq.f32 s21, s20  }
0x127: {  	p2 =	slt.s32 s22, s19  }
0x128: {  	p3 =	sgt.f32 s21, s20;
	p0 =	por !p1, !p2  }
0x129: {  	p0 =	por !p0, !p0  }
0x12a: {  	(v2sf) =	vpush v2, $0x6;
	p0 =	por p3, p0  }
0x12b: {  	s20 =	smov.u32 @p0 s21;
	s21 =	spop (v2sf);
	(v2sf) =	vpush v1, $0x6;
	_ =	sdelay $0x2  }
0x12c: {  	s19 =	smov.u32 @p0 s22;
	s22 =	spop (v2sf);
	p4 =	seq.f32 s21, s20  }
0x12d: {  	p5 =	slt.s32 s22, s19  }
0x12e: {  	p6 =	sgt.f32 s21, s20;
	(v2sf) =	vpush v2, $0x7;
	p0 =	por !p4, !p5  }
0x12f: {  	p0 =	por !p0, !p0  }
0x130: {  	p0 =	por p6, p0  }
0x131: {  	s20 =	smov.u32 @p0 s21;
	s21 =	spop (v2sf);
	(v2sf) =	vpush v1, $0x7  }
0x132: {  	s19 =	smov.u32 @p0 s22;
	s22 =	spop (v2sf);
	p1 =	seq.f32 s21, s20  }
0x133: {  	p2 =	slt.s32 s22, s19  }
0x134: {  	p3 =	sgt.f32 s21, s20;
	p0 =	por !p1, !p2  }
0x135: {  	p0 =	por !p0, !p0  }
0x136: {  	(v2sf) =	vpush v2, $0x8;
	p0 =	por p3, p0  }
0x137: {  	s20 =	smov.u32 @p0 s21;
	s21 =	spop (v2sf);
	(v2sf) =	vpush v1, $0x8  }
0x138: {  	s19 =	smov.u32 @p0 s22;
	p4 =	seq.f32 s21, s20;
	s22 =	spop (v2sf)  }
0x139: {  	p5 =	slt.s32 s22, s19  }
0x13a: {  	p6 =	sgt.f32 s21, s20;
	p0 =	por !p4, !p5  }
0x13b: {  	p0 =	por !p0, !p0  }
0x13c: {  	(v2sf) =	vpush v2, $0x9;
	p0 =	por p6, p0  }
0x13d: {  	s20 =	smov.u32 @p0 s21;
	s21 =	spop (v2sf);
	(v2sf) =	vpush v1, $0x9;
	_ =	sdelay $0x2  }
0x13e: {  	s19 =	smov.u32 @p0 s22;
	s22 =	spop (v2sf);
	p1 =	seq.f32 s21, s20  }
0x13f: {  	p2 =	slt.s32 s22, s19  }
0x140: {  	p3 =	sgt.f32 s21, s20;
	(v2sf) =	vpush v2, $0xA;
	p0 =	por !p1, !p2  }
0x141: {  	p0 =	por !p0, !p0  }
0x142: {  	p0 =	por p3, p0  }
0x143: {  	s20 =	smov.u32 @p0 s21;
	s21 =	spop (v2sf);
	(v2sf) =	vpush v1, $0xA  }
0x144: {  	s19 =	smov.u32 @p0 s22;
	s22 =	spop (v2sf);
	p4 =	seq.f32 s21, s20  }
0x145: {  	p5 =	slt.s32 s22, s19  }
0x146: {  	p6 =	sgt.f32 s21, s20;
	p0 =	por !p4, !p5  }
0x147: {  	p0 =	por !p0, !p0  }
0x148: {  	(v2sf) =	vpush v2, $0xB;
	p0 =	por p6, p0  }
0x149: {  	s20 =	smov.u32 @p0 s21;
	s21 =	spop (v2sf);
	(v2sf) =	vpush v1, $0xB  }
0x14a: {  	s19 =	smov.u32 @p0 s22;
	p1 =	seq.f32 s21, s20;
	s22 =	spop (v2sf)  }
0x14b: {  	p2 =	slt.s32 s22, s19  }
0x14c: {  	p3 =	sgt.f32 s21, s20;
	p0 =	por !p1, !p2  }
0x14d: {  	p0 =	por !p0, !p0  }
0x14e: {  	(v2sf) =	vpush v2, $0xC;
	p0 =	por p3, p0  }
0x14f: {  	s20 =	smov.u32 @p0 s21;
	s21 =	spop (v2sf);
	(v2sf) =	vpush v1, $0xC;
	_ =	sdelay $0x2  }
0x150: {  	s19 =	smov.u32 @p0 s22;
	s22 =	spop (v2sf);
	p4 =	seq.f32 s21, s20  }
0x151: {  	p5 =	slt.s32 s22, s19  }
0x152: {  	p6 =	sgt.f32 s21, s20;
	(v2sf) =	vpush v2, $0xD;
	p0 =	por !p4, !p5  }
0x153: {  	(v2sf) =	vpush v1, $0xD;
	p0 =	por !p0, !p0  }
0x154: {  	p0 =	por p6, p0  }
0x155: {  	s20 =	smov.u32 @p0 s21;
	s21 =	spop (v2sf)  }
0x156: {  	s19 =	smov.u32 @p0 s22;
	s22 =	spop (v2sf);
	p1 =	seq.f32 s21, s20  }
0x157: {  	p2 =	slt.s32 s22, s19  }
0x158: {  	(v2sf) =	vpush v2, $0xE;
	p3 =	sgt.f32 s21, s20;
	p0 =	por !p1, !p2  }
0x159: {  	(v2sf) =	vpush v1, $0xE;
	p0 =	por !p0, !p0  }
0x15a: {  	p0 =	por p3, p0  }
0x15b: {  	s20 =	smov.u32 @p0 s21;
	s21 =	spop (v2sf)  }
0x15c: {  	s19 =	smov.u32 @p0 s22;
	p4 =	seq.f32 s21, s20;
	s22 =	spop (v2sf)  }
0x15d: {  	(v2sf) =	vpush v2, $0xF;
	p5 =	slt.s32 s22, s19  }
0x15e: {  	p6 =	sgt.f32 s21, s20;
	(v2sf) =	vpush v1, $0xF;
	p0 =	por !p4, !p5  }
0x15f: {  	p0 =	por !p0, !p0  }
0x160: {  	p0 =	por p6, p0  }
0x161: {  	s23 =	spop (v2sf);
	s20 =	smov.u32 @p0 s21  }
0x162: {  	s21 =	spop (v2sf);
	s19 =	smov.u32 @p0 s22;
	p1 =	seq.f32 s23, s20  }
0x163: {  	p2 =	slt.s32 s21, s19  }
0x164: {  	p3 =	sgt.f32 s23, s20;
	p0 =	por !p1, !p2  }
0x165: {  	p0 =	por !p0, !p0  }
0x166: {  	p0 =	por p3, p0  }
0x167: {  	s22 =	spop (v2sf);
	s20 =	smov.u32 @p0 s23  }
0x168: {  	s23 =	spop (v2sf);
	s19 =	smov.u32 @p0 s21;
	p4 =	seq.f32 s22, s20  }
0x169: {  	p5 =	slt.s32 s23, s19  }
0x16a: {  	p6 =	sgt.f32 s22, s20;
	p0 =	por !p4, !p5  }
0x16b: {  	p0 =	por !p0, !p0  }
0x16c: {  	s30 =	spop (v2sf);
	p0 =	por p6, p0  }
0x16d: {  	s20 =	smov.u32 @p0 s22;
	s19 =	smov.u32 @p0 s23;
	s22 =	spop (v2sf)  }
0x16e: {  	p0 =	seq.f32 s30, s20;
	p1 =	slt.s32 s22, s19;
	s23 =	smov.u32 s19  }
0x16f: {  	p2 =	sgt.f32 s30, s20;
	s23 =	smov.u32 @p1 s22  }
0x170: {  	s19 =	smov.u32 @p0 s23  }
0x171: {  	s19 =	smov.u32 @p2 s22  }
0x172: {  	v1 =	vmov s19  }
0x173: {  	s31 =	simm.s32 $0x0;
	[tilespmem:$0x18740] =	vst v1  }
0x174: {  	[hbm4b:s11+s31] =	stream.linear.scatter [tilespmem:s17], [sflag:$0x1], $0x48, $0x38;
	[tilespmem:$0x18780] =	vst v63  }
0x175: {  	_ =	swait.ge [sflag:s16], $0x48  }
0x176: {  	[sflag:s16] =	ssyncset.done $0x0  }
0x177: {  	[sflag:s16] =	ssyncadd.s32 $0xFFFFFFB8  }
0x178: {  	[tilespmem:s31], [sflag:$0x1] =	stream.linear.gather [hbm4b:s12+s31], $0x186A0, $0x38;
	[tilespmem:$0x18780] =	vst v63  }
0x179: {  	_ =	swait.ge [sflag:s16], $0x186A0  }
0x17a: {  	[sflag:s16] =	ssyncset.done $0x0  }
0x17b: {  	[sflag:s16] =	ssyncadd.s32 $0xFFFE7960  }
0x17c: {  	[tilespmem:s17], [sflag:$0x1] =	stream.linear.gather [hbm4b:s13+s31], $0x40, $0x38;
	[tilespmem:$0x18780] =	vst v63  }
0x17d: {  	_ =	swait.ge [sflag:s16], $0x40  }
0x17e: {  	[sflag:s16] =	ssyncset.done $0x0  }
0x17f: {  	[sflag:s16] =	ssyncadd.s32 $0xFFFFFFC0  }
0x180: {  	v1 =	vld [tilespmem:s31+$0x0];
	_ =	sdelay $0x3  }
0x181: {  	v2 =	vimm.f32 $-Inf  }
0x182: {  	v3 =	vimm.s32 $0x0;
	v4 =	vor.u32 s31, v0;
	s20 =	simm.s32 $0x10;
	s19 =	simm.s32 $0x10;
	vm0 =	vgt.f32 v1, v2  }
.LBB2_8:
0x183: {  	p0 =	sne.s32 s19, $0x18690;
	v2 =	vsel vm0, v1, v2;
	v1 =	vld [tilespmem:s20+$0x0];
	v3 =	vsel vm0, v4, v3;
	s21 =	smov.u32 s19;
	s19 =	sadd.s32 $0x10, s19  }
.Ltmp3:
0x184: {  	(pc) =	sbr.rel @p0 .LBB2_8-.Ltmp3, $2  }
0x185: {  	_ =	sdelay $0x2  }
0x186: {  	s20 =	sadd.s32 $0x10, s20;
	v4 =	vor.u32 s21, v0;
	vm0 =	vgt.f32 v1, v2  }
0x187: {  	v2 =	vsel vm0, v1, v2  }
0x188: {  	v1 =	vsel vm0, v4, v3;
	(v2sf) =	vpush v2, $0x0  }
0x189: {  	(v2sf) =	vpush v1, $0x0;
	_ =	sdelay $0x1  }
0x18a: {  	(v2sf) =	vpush v2, $0x1  }
0x18b: {  	(v2sf) =	vpush v1, $0x1;
	_ =	sdelay $0x4  }
0x18c: {  	(v2sf) =	vpush v2, $0x2  }
0x18d: {  	(v2sf) =	vpush v1, $0x2;
	_ =	sdelay $0x4  }
0x18e: {  	s20 =	spop (v2sf);
	(v2sf) =	vpush v2, $0x3  }
0x18f: {  	s19 =	spop (v2sf);
	(v2sf) =	vpush v1, $0x3;
	_ =	sdelay $0x1  }
0x190: {  	s21 =	spop (v2sf)  }
0x191: {  	s22 =	spop (v2sf);
	p0 =	seq.f32 s21, s20  }
0x192: {  	p1 =	slt.s32 s22, s19  }
0x193: {  	(v2sf) =	vpush v2, $0x4;
	p2 =	sgt.f32 s21, s20;
	p0 =	por !p0, !p1  }
0x194: {  	p0 =	por !p0, !p0  }
0x195: {  	p0 =	por p2, p0  }
0x196: {  	(v2sf) =	vpush v1, $0x4;
	s20 =	smov.u32 @p0 s21;
	s21 =	spop (v2sf)  }
0x197: {  	s19 =	smov.u32 @p0 s22;
	s22 =	spop (v2sf);
	p4 =	seq.f32 s21, s20  }
0x198: {  	p5 =	slt.s32 s22, s19  }
0x199: {  	p6 =	sgt.f32 s21, s20;
	p0 =	por !p4, !p5  }
0x19a: {  	p0 =	por !p0, !p0  }
0x19b: {  	(v2sf) =	vpush v2, $0x5;
	p0 =	por p6, p0  }
0x19c: {  	(v2sf) =	vpush v1, $0x5;
	s20 =	smov.u32 @p0 s21;
	s21 =	spop (v2sf)  }
0x19d: {  	s19 =	smov.u32 @p0 s22;
	s22 =	spop (v2sf);
	p1 =	seq.f32 s21, s20  }
0x19e: {  	p2 =	slt.s32 s22, s19  }
0x19f: {  	p3 =	sgt.f32 s21, s20;
	p0 =	por !p1, !p2  }
0x1a0: {  	p0 =	por !p0, !p0  }
0x1a1: {  	(v2sf) =	vpush v2, $0x6;
	p0 =	por p3, p0  }
0x1a2: {  	s20 =	smov.u32 @p0 s21;
	s21 =	spop (v2sf);
	(v2sf) =	vpush v1, $0x6;
	_ =	sdelay $0x2  }
0x1a3: {  	s19 =	smov.u32 @p0 s22;
	s22 =	spop (v2sf);
	p4 =	seq.f32 s21, s20  }
0x1a4: {  	p5 =	slt.s32 s22, s19  }
0x1a5: {  	p6 =	sgt.f32 s21, s20;
	(v2sf) =	vpush v2, $0x7;
	p0 =	por !p4, !p5  }
0x1a6: {  	p0 =	por !p0, !p0  }
0x1a7: {  	p0 =	por p6, p0  }
0x1a8: {  	s20 =	smov.u32 @p0 s21;
	s21 =	spop (v2sf);
	(v2sf) =	vpush v1, $0x7  }
0x1a9: {  	s19 =	smov.u32 @p0 s22;
	s22 =	spop (v2sf);
	p1 =	seq.f32 s21, s20  }
0x1aa: {  	p2 =	slt.s32 s22, s19  }
0x1ab: {  	p3 =	sgt.f32 s21, s20;
	p0 =	por !p1, !p2  }
0x1ac: {  	p0 =	por !p0, !p0  }
0x1ad: {  	(v2sf) =	vpush v2, $0x8;
	p0 =	por p3, p0  }
0x1ae: {  	s20 =	smov.u32 @p0 s21;
	s21 =	spop (v2sf);
	(v2sf) =	vpush v1, $0x8  }
0x1af: {  	s19 =	smov.u32 @p0 s22;
	p4 =	seq.f32 s21, s20;
	s22 =	spop (v2sf)  }
0x1b0: {  	p5 =	slt.s32 s22, s19  }
0x1b1: {  	p6 =	sgt.f32 s21, s20;
	p0 =	por !p4, !p5  }
0x1b2: {  	p0 =	por !p0, !p0  }
0x1b3: {  	(v2sf) =	vpush v2, $0x9;
	p0 =	por p6, p0  }
0x1b4: {  	s20 =	smov.u32 @p0 s21;
	s21 =	spop (v2sf);
	(v2sf) =	vpush v1, $0x9;
	_ =	sdelay $0x2  }
0x1b5: {  	s19 =	smov.u32 @p0 s22;
	s22 =	spop (v2sf);
	p1 =	seq.f32 s21, s20  }
0x1b6: {  	p2 =	slt.s32 s22, s19  }
0x1b7: {  	p3 =	sgt.f32 s21, s20;
	(v2sf) =	vpush v2, $0xA;
	p0 =	por !p1, !p2  }
0x1b8: {  	p0 =	por !p0, !p0  }
0x1b9: {  	p0 =	por p3, p0  }
0x1ba: {  	s20 =	smov.u32 @p0 s21;
	s21 =	spop (v2sf);
	(v2sf) =	vpush v1, $0xA  }
0x1bb: {  	s19 =	smov.u32 @p0 s22;
	s22 =	spop (v2sf);
	p4 =	seq.f32 s21, s20  }
0x1bc: {  	p5 =	slt.s32 s22, s19  }
0x1bd: {  	p6 =	sgt.f32 s21, s20;
	p0 =	por !p4, !p5  }
0x1be: {  	p0 =	por !p0, !p0  }
0x1bf: {  	(v2sf) =	vpush v2, $0xB;
	p0 =	por p6, p0  }
0x1c0: {  	s20 =	smov.u32 @p0 s21;
	s21 =	spop (v2sf);
	(v2sf) =	vpush v1, $0xB  }
0x1c1: {  	s19 =	smov.u32 @p0 s22;
	p1 =	seq.f32 s21, s20;
	s22 =	spop (v2sf)  }
0x1c2: {  	p2 =	slt.s32 s22, s19  }
0x1c3: {  	p3 =	sgt.f32 s21, s20;
	p0 =	por !p1, !p2  }
0x1c4: {  	p0 =	por !p0, !p0  }
0x1c5: {  	(v2sf) =	vpush v2, $0xC;
	p0 =	por p3, p0  }
0x1c6: {  	s20 =	smov.u32 @p0 s21;
	s21 =	spop (v2sf);
	(v2sf) =	vpush v1, $0xC;
	_ =	sdelay $0x2  }
0x1c7: {  	s19 =	smov.u32 @p0 s22;
	s22 =	spop (v2sf);
	p4 =	seq.f32 s21, s20  }
0x1c8: {  	p5 =	slt.s32 s22, s19  }
0x1c9: {  	p6 =	sgt.f32 s21, s20;
	(v2sf) =	vpush v2, $0xD;
	p0 =	por !p4, !p5  }
0x1ca: {  	(v2sf) =	vpush v1, $0xD;
	p0 =	por !p0, !p0  }
0x1cb: {  	p0 =	por p6, p0  }
0x1cc: {  	s20 =	smov.u32 @p0 s21;
	s21 =	spop (v2sf)  }
0x1cd: {  	s19 =	smov.u32 @p0 s22;
	s22 =	spop (v2sf);
	p1 =	seq.f32 s21, s20  }
0x1ce: {  	p2 =	slt.s32 s22, s19  }
0x1cf: {  	(v2sf) =	vpush v2, $0xE;
	p3 =	sgt.f32 s21, s20;
	p0 =	por !p1, !p2  }
0x1d0: {  	(v2sf) =	vpush v1, $0xE;
	p0 =	por !p0, !p0  }
0x1d1: {  	p0 =	por p3, p0  }
0x1d2: {  	s20 =	smov.u32 @p0 s21;
	s21 =	spop (v2sf)  }
0x1d3: {  	s19 =	smov.u32 @p0 s22;
	p4 =	seq.f32 s21, s20;
	s22 =	spop (v2sf)  }
0x1d4: {  	(v2sf) =	vpush v2, $0xF;
	p5 =	slt.s32 s22, s19  }
0x1d5: {  	p6 =	sgt.f32 s21, s20;
	(v2sf) =	vpush v1, $0xF;
	p0 =	por !p4, !p5  }
0x1d6: {  	p0 =	por !p0, !p0  }
0x1d7: {  	p0 =	por p6, p0  }
0x1d8: {  	s23 =	spop (v2sf);
	s20 =	smov.u32 @p0 s21  }
0x1d9: {  	s21 =	spop (v2sf);
	s19 =	smov.u32 @p0 s22;
	p1 =	seq.f32 s23, s20  }
0x1da: {  	p2 =	slt.s32 s21, s19  }
0x1db: {  	p3 =	sgt.f32 s23, s20;
	p0 =	por !p1, !p2  }
0x1dc: {  	p0 =	por !p0, !p0  }
0x1dd: {  	p0 =	por p3, p0  }
0x1de: {  	s22 =	spop (v2sf);
	s20 =	smov.u32 @p0 s23  }
0x1df: {  	s23 =	spop (v2sf);
	s19 =	smov.u32 @p0 s21;
	p4 =	seq.f32 s22, s20  }
0x1e0: {  	p5 =	slt.s32 s23, s19  }
0x1e1: {  	p6 =	sgt.f32 s22, s20;
	p0 =	por !p4, !p5  }
0x1e2: {  	p0 =	por !p0, !p0  }
0x1e3: {  	s31 =	spop (v2sf);
	p0 =	por p6, p0  }
0x1e4: {  	s20 =	smov.u32 @p0 s22;
	s19 =	smov.u32 @p0 s23;
	s22 =	spop (v2sf)  }
0x1e5: {  	p0 =	seq.f32 s31, s20;
	p1 =	slt.s32 s22, s19;
	s23 =	smov.u32 s19  }
0x1e6: {  	p2 =	sgt.f32 s31, s20;
	s23 =	smov.u32 @p1 s22  }
0x1e7: {  	s19 =	smov.u32 @p0 s23  }
0x1e8: {  	s18 =	sadd.s32 $0x1, s18;
	s19 =	smov.u32 @p2 s22  }
0x1e9: {  	p0 =	sne.s32 s18, s15;
	v1 =	vmov s19  }
.Ltmp4:
0x1ea: {  	[tilespmem:$0x18740] =	vst v1;
	(pc) =	sbr.rel @p0 .LBB2_1-.Ltmp4, $4  }
0x1eb: {  	[hbm4b:s14+s2] =	stream.linear.scatter [tilespmem:s17], [sflag:$0x1], $0x48, $0x38;
	[tilespmem:$0x18780] =	vst v63  }
0x1ec: {  	_ =	swait.ge [sflag:s16], $0x48  }
0x1ed: {  	[sflag:s16] =	ssyncset.done $0x0  }
0x1ee: {  	[sflag:s16] =	ssyncadd.s32 $0xFFFFFFB8  }
0x1ef: {  	_ =	sfence.sel $0x180000  }
0x1f0: {  	[bflag:$0x0] =	sbarrier.arrive $0xFFFF  }
0x1f1: {  	p0 =	sne.s32 s1, $0x0;
	_ =	strace $0x90000047  }
0x1f2: {  	s0 =	sadd.s32 @!p0 $0x100000, s0;
	[bflag:$0x2] =	sbarrier.arrive $0xFFFF  }
0x1f3: {  	[sflag:s0] =	ssyncadd.tile.s32 @!p0 $0x1;
	_ =	shalt  }
.Lfunc_end2:
_tile_overlayer_lowered:
.L_overlay_start_2:
0x1f4: {  	(tag) =	ssettag $0x2  }
0x1f5: {  	s0 =	rddreg [dreg:$0x0];
	s2 =	stileid.u32  }
0x1f6: {  	s1 =	rddreg [dreg:$0x1];
	p0 =	sne.s32 s2, $0x0  }
0x1f7: {  	s3 =	rddreg [dreg:$0x2];
	[bflag:$0x3] =	sbarrier.arrive $0xFFFF;
	s2 =	simm.s32 @!p0 $0x1C01  }
0x1f8: {  	[timem:s3], [sflag:s2] =	dma.local @!p0 [hbm:s0], s1  }
0x1f9: {  	s0 =	simm.s32 @!p0 $0x1  }
0x1fa: {  	_ =	swait.ge @!p0 [sflag:s0], s1  }
0x1fb: {  	s1 =	ssub.s32 @!p0 $0x0, s1;
	[sflag:s0] =	ssyncset.done @!p0 $0x0  }
0x1fc: {  	[sflag:s0] =	ssyncadd.s32 @!p0 s1  }
0x1fd: {  	[bflag:$0x3] =	sbarrier.arrive $0xFFFF  }
0x1fe: {  	_ =	shalt  }

</sc_bundles>
